<compile_context>
chip_gen: v7x
topology: tpu7x:2x2x1
jax: 0.10.2.dev20260603
libtpu: 0.0.44.dev20260713+nightly
codegen_flags: <defaults>
</compile_context>

<pallas_src>
import functools

import jax
import jax.numpy as jnp
from jax import lax
from jax.experimental import pallas as pl
from jax.experimental.pallas import tpu as pltpu
from jax.experimental.pallas import tpu_sc as plsc

_NUM_NODES = 1000000
_DIM = 32
_BATCH = 16384

_NC = 2
_NS = 16
_NW = _NC * _NS
_PAIRS_PER_W = _BATCH // _NW
_ROWS_PER_W = 2 * _PAIRS_PER_W
_CHUNK = 128
_NCHUNK = _ROWS_PER_W // _CHUNK
_BLOCKS = _PAIRS_PER_W // 16


def _body(ids_hbm, table_hbm, out_hbm, idx_v, rows_v, out_v, sem):
    wid = lax.axis_index("s") * _NC + lax.axis_index("c")

    pltpu.sync_copy(ids_hbm.at[pl.ds(wid * _NCHUNK, _NCHUNK), :], idx_v)

    copies = []
    for j in range(_NCHUNK):
        copies.append(
            pltpu.async_copy(
                table_hbm.at[idx_v.at[j]],
                rows_v.at[pl.ds(j * _CHUNK, _CHUNK), :],
                sem,
            )
        )
    for c in copies:
        c.wait()

    lanes = lax.broadcasted_iota(jnp.int32, (16,), 0)

    def block(b, _):
        row_a = 32 * b + 2 * lanes
        row_b = row_a + 1
        acc = jnp.zeros((16,), jnp.float32)
        for j in range(_DIM):
            col = jnp.full((16,), j, jnp.int32)
            a = plsc.load_gather(rows_v, [row_a, col])
            bb = plsc.load_gather(rows_v, [row_b, col])
            d = a - bb
            acc = acc + d * d
        out_v[pl.ds(b * 16, 16)] = acc
        return _

    lax.fori_loop(0, _BLOCKS, block, None)

    pltpu.sync_copy(out_v, out_hbm.at[pl.ds(wid * _PAIRS_PER_W, _PAIRS_PER_W)])


@jax.jit
def kernel(inputs, embedding_table):
    ids2d = inputs.astype(jnp.int32).reshape(_NW * _NCHUNK, _CHUNK)
    table = embedding_table * jnp.float32(1.0)
    run = functools.partial(
        pl.kernel,
        mesh=plsc.VectorSubcoreMesh(core_axis_name="c", subcore_axis_name="s"),
        out_type=jax.ShapeDtypeStruct((_BATCH,), jnp.float32),
        compiler_params=pltpu.CompilerParams(
            needs_layout_passes=False, use_tc_tiling_on_sc=False
        ),
        scratch_types=[
            pltpu.VMEM((_NCHUNK, _CHUNK), jnp.int32),
            pltpu.VMEM((_ROWS_PER_W, _DIM), jnp.float32),
            pltpu.VMEM((_PAIRS_PER_W,), jnp.float32),
            pltpu.SemaphoreType.DMA,
        ],
    )(_body)
    return run(ids2d, table)

# --- scband reference (transcript-rebuilt; emitter-appended) ---
"""Pipeline reference for scband-squared-euclidean-distance-model-78340203479257 (READ-ONLY COPY).

The authoritative reference and input builder live on the scoring server;
editing this copy changes nothing except your own understanding.
"""

import jax, jax.numpy as jnp
import numpy as np

NUM_NODES = 1000000
NUM_DIMENSIONS = 32
BATCH = 16384

def setup_inputs(seed: int = 0) -> dict:
    key = jax.random.key(seed)
    k1, k2 = jax.random.split(key)
    inputs = jax.random.randint(k1, (BATCH, 2), 0, NUM_NODES, dtype=jnp.int64 if jax.config.jax_enable_x64 else jnp.int32)
    # Embedding table parameter (keras Embedding default uniform init)
    embedding_table = jax.random.uniform(k2, (NUM_NODES, NUM_DIMENSIONS), dtype=jnp.float32, minval=-0.05, maxval=0.05)
    return {"inputs": inputs, "embedding_table": embedding_table}

def reference(inputs, embedding_table):
    node1_ids = inputs[:, 0]
    node2_ids = inputs[:, 1]
    node1_points = jnp.take(embedding_table, node1_ids, axis=0)
    node2_points = jnp.take(embedding_table, node2_ids, axis=0)
    distance = jnp.sum(jnp.square(node1_points - node2_points), axis=1)
    return distance

if __name__ == "__main__":
    import jax
    _d = setup_inputs()
    print(jax.jit(kernel)(*tuple(_d.values())))

</pallas_src>

<mosaic_0001>
#map = affine_map<(d0, d1) -> (0, 0)>
#map1 = affine_map<(d0, d1) -> (0)>
module attributes {stable_mosaic.version = 14 : i64} {
  func.func @_body(%arg0: i32, %arg1: i32, %arg2: memref<256x128xi32, #tpu.memory_space<hbm>>, %arg3: memref<1000000x32xf32, #tpu.memory_space<hbm>>, %arg4: memref<16384xf32, #tpu.memory_space<hbm>>, %arg5: memref<8x128xi32, #tpu.memory_space<vmem>>, %arg6: memref<1024x32xf32, #tpu.memory_space<vmem>>, %arg7: memref<512xf32, #tpu.memory_space<vmem>>, %arg8: memref<!tpu.dma_semaphore, #tpu.memory_space<semaphore_mem>>) attributes {dimension_semantics = [#tpu.dimension_semantics<core_parallel>, #tpu.dimension_semantics<subcore_parallel>], iteration_bounds = array<i64: 2, 16>, scalar_prefetch = 0 : i64, scratch_operands = 4 : i64, tpu.core_type = #tpu.core_type<sc_vector_subcore>, window_params = [{transform_indices = #map}, {transform_indices = #map}, {transform_indices = #map1}]} {
    %mul3A = arith.constant 2 : i32
    %mul3A_0 = arith.muli %arg1, %mul3A : i32
    %add3A = arith.addi %mul3A_0, %arg0 : i32
    %mul3A_1 = arith.constant 8 : i32
    %mul3A_2 = arith.muli %add3A, %mul3A_1 : i32
    "tpu.region"() ({
      %run_scoped3A = tpu.sem_alloc : memref<!tpu.dma_semaphore, #tpu.memory_space<semaphore_mem>>
      %dma_start3A_167 = arith.constant 0 : i32
      %dma_start3A_168 = tpu.memref_slice %arg2[%mul3A_2, %dma_start3A_167] : memref<256x128xi32, #tpu.memory_space<hbm>> -> memref<8x128xi32, #tpu.memory_space<hbm>>
      %dma_start3A_169 = arith.constant 0 : i32
      %dma_start3A_170 = tpu.memref_slice %arg2[%mul3A_2, %dma_start3A_169] : memref<256x128xi32, #tpu.memory_space<hbm>> -> memref<8x128xi32, #tpu.memory_space<hbm>>
      tpu.enqueue_dma source(%dma_start3A_170 : memref<8x128xi32, #tpu.memory_space<hbm>>) target(%arg5 : memref<8x128xi32, #tpu.memory_space<vmem>>) target_semaphore(%run_scoped3A : memref<!tpu.dma_semaphore, #tpu.memory_space<semaphore_mem>>)
      %dma_wait3A_171 = arith.constant 0 : i32
      %dma_wait3A_172 = tpu.memref_slice %arg2[%mul3A_2, %dma_wait3A_171] : memref<256x128xi32, #tpu.memory_space<hbm>> -> memref<8x128xi32, #tpu.memory_space<hbm>>
      %dma_wait3A_173 = arith.constant 0 : i32
      %dma_wait3A_174 = tpu.memref_slice %arg2[%mul3A_2, %dma_wait3A_173] : memref<256x128xi32, #tpu.memory_space<hbm>> -> memref<8x128xi32, #tpu.memory_space<hbm>>
      tpu.wait_dma2 semaphore(%run_scoped3A : memref<!tpu.dma_semaphore, #tpu.memory_space<semaphore_mem>>) src(%dma_wait3A_174 : memref<8x128xi32, #tpu.memory_space<hbm>>) dst(%arg5 : memref<8x128xi32, #tpu.memory_space<vmem>>)
      tpu.yield
    }) : () -> ()
    %dma_start3A = arith.constant 0 : i32
    %dma_start3A_3 = arith.constant 0 : i32
    %dma_start3A_4 = arith.constant 0 : i32
    %dma_start3A_5 = tpu.memref_slice %arg6[%dma_start3A_3, %dma_start3A_4] : memref<1024x32xf32, #tpu.memory_space<vmem>> -> memref<128x32xf32, #tpu.memory_space<vmem>>
    %dma_start3A_6 = arith.constant 0 : i32
    %dma_start3A_7 = tpu.memref_slice %arg5[%dma_start3A, %dma_start3A_6] : memref<8x128xi32, #tpu.memory_space<vmem>> -> memref<1x128xi32, #tpu.memory_space<vmem>>
    %dma_start3A_8 = tpu.memref_squeeze %dma_start3A_7 : memref<1x128xi32, #tpu.memory_space<vmem>> -> memref<128xi32, #tpu.memory_space<vmem>>
    %dma_start3A_9 = arith.constant 0 : i32
    %dma_start3A_10 = arith.constant 0 : i32
    %dma_start3A_11 = tpu.memref_slice %arg3[%dma_start3A_9, %dma_start3A_10] : memref<1000000x32xf32, #tpu.memory_space<hbm>> -> memref<1000000x32xf32, #tpu.memory_space<hbm>>
    tpu.enqueue_indirect_dma source(%dma_start3A_11 : memref<1000000x32xf32, #tpu.memory_space<hbm>>) target(%dma_start3A_5 : memref<128x32xf32, #tpu.memory_space<vmem>>) offsets(%dma_start3A_8 : memref<128xi32, #tpu.memory_space<vmem>>) semaphore(%arg8 : memref<!tpu.dma_semaphore, #tpu.memory_space<semaphore_mem>>)
    %dma_start3A_12 = arith.constant 1 : i32
    %dma_start3A_13 = arith.constant 128 : i32
    %dma_start3A_14 = arith.constant 0 : i32
    %dma_start3A_15 = tpu.memref_slice %arg6[%dma_start3A_13, %dma_start3A_14] : memref<1024x32xf32, #tpu.memory_space<vmem>> -> memref<128x32xf32, #tpu.memory_space<vmem>>
    %dma_start3A_16 = arith.constant 0 : i32
    %dma_start3A_17 = tpu.memref_slice %arg5[%dma_start3A_12, %dma_start3A_16] : memref<8x128xi32, #tpu.memory_space<vmem>> -> memref<1x128xi32, #tpu.memory_space<vmem>>
    %dma_start3A_18 = tpu.memref_squeeze %dma_start3A_17 : memref<1x128xi32, #tpu.memory_space<vmem>> -> memref<128xi32, #tpu.memory_space<vmem>>
    %dma_start3A_19 = arith.constant 0 : i32
    %dma_start3A_20 = arith.constant 0 : i32
    %dma_start3A_21 = tpu.memref_slice %arg3[%dma_start3A_19, %dma_start3A_20] : memref<1000000x32xf32, #tpu.memory_space<hbm>> -> memref<1000000x32xf32, #tpu.memory_space<hbm>>
    tpu.enqueue_indirect_dma source(%dma_start3A_21 : memref<1000000x32xf32, #tpu.memory_space<hbm>>) target(%dma_start3A_15 : memref<128x32xf32, #tpu.memory_space<vmem>>) offsets(%dma_start3A_18 : memref<128xi32, #tpu.memory_space<vmem>>) semaphore(%arg8 : memref<!tpu.dma_semaphore, #tpu.memory_space<semaphore_mem>>)
    %dma_start3A_22 = arith.constant 2 : i32
    %dma_start3A_23 = arith.constant 256 : i32
    %dma_start3A_24 = arith.constant 0 : i32
    %dma_start3A_25 = tpu.memref_slice %arg6[%dma_start3A_23, %dma_start3A_24] : memref<1024x32xf32, #tpu.memory_space<vmem>> -> memref<128x32xf32, #tpu.memory_space<vmem>>
    %dma_start3A_26 = arith.constant 0 : i32
    %dma_start3A_27 = tpu.memref_slice %arg5[%dma_start3A_22, %dma_start3A_26] : memref<8x128xi32, #tpu.memory_space<vmem>> -> memref<1x128xi32, #tpu.memory_space<vmem>>
    %dma_start3A_28 = tpu.memref_squeeze %dma_start3A_27 : memref<1x128xi32, #tpu.memory_space<vmem>> -> memref<128xi32, #tpu.memory_space<vmem>>
    %dma_start3A_29 = arith.constant 0 : i32
    %dma_start3A_30 = arith.constant 0 : i32
    %dma_start3A_31 = tpu.memref_slice %arg3[%dma_start3A_29, %dma_start3A_30] : memref<1000000x32xf32, #tpu.memory_space<hbm>> -> memref<1000000x32xf32, #tpu.memory_space<hbm>>
    tpu.enqueue_indirect_dma source(%dma_start3A_31 : memref<1000000x32xf32, #tpu.memory_space<hbm>>) target(%dma_start3A_25 : memref<128x32xf32, #tpu.memory_space<vmem>>) offsets(%dma_start3A_28 : memref<128xi32, #tpu.memory_space<vmem>>) semaphore(%arg8 : memref<!tpu.dma_semaphore, #tpu.memory_space<semaphore_mem>>)
    %dma_start3A_32 = arith.constant 3 : i32
    %dma_start3A_33 = arith.constant 384 : i32
    %dma_start3A_34 = arith.constant 0 : i32
    %dma_start3A_35 = tpu.memref_slice %arg6[%dma_start3A_33, %dma_start3A_34] : memref<1024x32xf32, #tpu.memory_space<vmem>> -> memref<128x32xf32, #tpu.memory_space<vmem>>
    %dma_start3A_36 = arith.constant 0 : i32
    %dma_start3A_37 = tpu.memref_slice %arg5[%dma_start3A_32, %dma_start3A_36] : memref<8x128xi32, #tpu.memory_space<vmem>> -> memref<1x128xi32, #tpu.memory_space<vmem>>
    %dma_start3A_38 = tpu.memref_squeeze %dma_start3A_37 : memref<1x128xi32, #tpu.memory_space<vmem>> -> memref<128xi32, #tpu.memory_space<vmem>>
    %dma_start3A_39 = arith.constant 0 : i32
    %dma_start3A_40 = arith.constant 0 : i32
    %dma_start3A_41 = tpu.memref_slice %arg3[%dma_start3A_39, %dma_start3A_40] : memref<1000000x32xf32, #tpu.memory_space<hbm>> -> memref<1000000x32xf32, #tpu.memory_space<hbm>>
    tpu.enqueue_indirect_dma source(%dma_start3A_41 : memref<1000000x32xf32, #tpu.memory_space<hbm>>) target(%dma_start3A_35 : memref<128x32xf32, #tpu.memory_space<vmem>>) offsets(%dma_start3A_38 : memref<128xi32, #tpu.memory_space<vmem>>) semaphore(%arg8 : memref<!tpu.dma_semaphore, #tpu.memory_space<semaphore_mem>>)
    %dma_start3A_42 = arith.constant 4 : i32
    %dma_start3A_43 = arith.constant 512 : i32
    %dma_start3A_44 = arith.constant 0 : i32
    %dma_start3A_45 = tpu.memref_slice %arg6[%dma_start3A_43, %dma_start3A_44] : memref<1024x32xf32, #tpu.memory_space<vmem>> -> memref<128x32xf32, #tpu.memory_space<vmem>>
    %dma_start3A_46 = arith.constant 0 : i32
    %dma_start3A_47 = tpu.memref_slice %arg5[%dma_start3A_42, %dma_start3A_46] : memref<8x128xi32, #tpu.memory_space<vmem>> -> memref<1x128xi32, #tpu.memory_space<vmem>>
    %dma_start3A_48 = tpu.memref_squeeze %dma_start3A_47 : memref<1x128xi32, #tpu.memory_space<vmem>> -> memref<128xi32, #tpu.memory_space<vmem>>
    %dma_start3A_49 = arith.constant 0 : i32
    %dma_start3A_50 = arith.constant 0 : i32
    %dma_start3A_51 = tpu.memref_slice %arg3[%dma_start3A_49, %dma_start3A_50] : memref<1000000x32xf32, #tpu.memory_space<hbm>> -> memref<1000000x32xf32, #tpu.memory_space<hbm>>
    tpu.enqueue_indirect_dma source(%dma_start3A_51 : memref<1000000x32xf32, #tpu.memory_space<hbm>>) target(%dma_start3A_45 : memref<128x32xf32, #tpu.memory_space<vmem>>) offsets(%dma_start3A_48 : memref<128xi32, #tpu.memory_space<vmem>>) semaphore(%arg8 : memref<!tpu.dma_semaphore, #tpu.memory_space<semaphore_mem>>)
    %dma_start3A_52 = arith.constant 5 : i32
    %dma_start3A_53 = arith.constant 640 : i32
    %dma_start3A_54 = arith.constant 0 : i32
    %dma_start3A_55 = tpu.memref_slice %arg6[%dma_start3A_53, %dma_start3A_54] : memref<1024x32xf32, #tpu.memory_space<vmem>> -> memref<128x32xf32, #tpu.memory_space<vmem>>
    %dma_start3A_56 = arith.constant 0 : i32
    %dma_start3A_57 = tpu.memref_slice %arg5[%dma_start3A_52, %dma_start3A_56] : memref<8x128xi32, #tpu.memory_space<vmem>> -> memref<1x128xi32, #tpu.memory_space<vmem>>
    %dma_start3A_58 = tpu.memref_squeeze %dma_start3A_57 : memref<1x128xi32, #tpu.memory_space<vmem>> -> memref<128xi32, #tpu.memory_space<vmem>>
    %dma_start3A_59 = arith.constant 0 : i32
    %dma_start3A_60 = arith.constant 0 : i32
    %dma_start3A_61 = tpu.memref_slice %arg3[%dma_start3A_59, %dma_start3A_60] : memref<1000000x32xf32, #tpu.memory_space<hbm>> -> memref<1000000x32xf32, #tpu.memory_space<hbm>>
    tpu.enqueue_indirect_dma source(%dma_start3A_61 : memref<1000000x32xf32, #tpu.memory_space<hbm>>) target(%dma_start3A_55 : memref<128x32xf32, #tpu.memory_space<vmem>>) offsets(%dma_start3A_58 : memref<128xi32, #tpu.memory_space<vmem>>) semaphore(%arg8 : memref<!tpu.dma_semaphore, #tpu.memory_space<semaphore_mem>>)
    %dma_start3A_62 = arith.constant 6 : i32
    %dma_start3A_63 = arith.constant 768 : i32
    %dma_start3A_64 = arith.constant 0 : i32
    %dma_start3A_65 = tpu.memref_slice %arg6[%dma_start3A_63, %dma_start3A_64] : memref<1024x32xf32, #tpu.memory_space<vmem>> -> memref<128x32xf32, #tpu.memory_space<vmem>>
    %dma_start3A_66 = arith.constant 0 : i32
    %dma_start3A_67 = tpu.memref_slice %arg5[%dma_start3A_62, %dma_start3A_66] : memref<8x128xi32, #tpu.memory_space<vmem>> -> memref<1x128xi32, #tpu.memory_space<vmem>>
    %dma_start3A_68 = tpu.memref_squeeze %dma_start3A_67 : memref<1x128xi32, #tpu.memory_space<vmem>> -> memref<128xi32, #tpu.memory_space<vmem>>
    %dma_start3A_69 = arith.constant 0 : i32
    %dma_start3A_70 = arith.constant 0 : i32
    %dma_start3A_71 = tpu.memref_slice %arg3[%dma_start3A_69, %dma_start3A_70] : memref<1000000x32xf32, #tpu.memory_space<hbm>> -> memref<1000000x32xf32, #tpu.memory_space<hbm>>
    tpu.enqueue_indirect_dma source(%dma_start3A_71 : memref<1000000x32xf32, #tpu.memory_space<hbm>>) target(%dma_start3A_65 : memref<128x32xf32, #tpu.memory_space<vmem>>) offsets(%dma_start3A_68 : memref<128xi32, #tpu.memory_space<vmem>>) semaphore(%arg8 : memref<!tpu.dma_semaphore, #tpu.memory_space<semaphore_mem>>)
    %dma_start3A_72 = arith.constant 7 : i32
    %dma_start3A_73 = arith.constant 896 : i32
    %dma_start3A_74 = arith.constant 0 : i32
    %dma_start3A_75 = tpu.memref_slice %arg6[%dma_start3A_73, %dma_start3A_74] : memref<1024x32xf32, #tpu.memory_space<vmem>> -> memref<128x32xf32, #tpu.memory_space<vmem>>
    %dma_start3A_76 = arith.constant 0 : i32
    %dma_start3A_77 = tpu.memref_slice %arg5[%dma_start3A_72, %dma_start3A_76] : memref<8x128xi32, #tpu.memory_space<vmem>> -> memref<1x128xi32, #tpu.memory_space<vmem>>
    %dma_start3A_78 = tpu.memref_squeeze %dma_start3A_77 : memref<1x128xi32, #tpu.memory_space<vmem>> -> memref<128xi32, #tpu.memory_space<vmem>>
    %dma_start3A_79 = arith.constant 0 : i32
    %dma_start3A_80 = arith.constant 0 : i32
    %dma_start3A_81 = tpu.memref_slice %arg3[%dma_start3A_79, %dma_start3A_80] : memref<1000000x32xf32, #tpu.memory_space<hbm>> -> memref<1000000x32xf32, #tpu.memory_space<hbm>>
    tpu.enqueue_indirect_dma source(%dma_start3A_81 : memref<1000000x32xf32, #tpu.memory_space<hbm>>) target(%dma_start3A_75 : memref<128x32xf32, #tpu.memory_space<vmem>>) offsets(%dma_start3A_78 : memref<128xi32, #tpu.memory_space<vmem>>) semaphore(%arg8 : memref<!tpu.dma_semaphore, #tpu.memory_space<semaphore_mem>>)
    %dma_wait3A = arith.constant 0 : i32
    %dma_wait3A_82 = arith.constant 0 : i32
    %dma_wait3A_83 = arith.constant 0 : i32
    %dma_wait3A_84 = tpu.memref_slice %arg6[%dma_wait3A_82, %dma_wait3A_83] : memref<1024x32xf32, #tpu.memory_space<vmem>> -> memref<128x32xf32, #tpu.memory_space<vmem>>
    %dma_wait3A_85 = arith.constant 0 : i32
    %dma_wait3A_86 = tpu.memref_slice %arg5[%dma_wait3A, %dma_wait3A_85] : memref<8x128xi32, #tpu.memory_space<vmem>> -> memref<1x128xi32, #tpu.memory_space<vmem>>
    %dma_wait3A_87 = tpu.memref_squeeze %dma_wait3A_86 : memref<1x128xi32, #tpu.memory_space<vmem>> -> memref<128xi32, #tpu.memory_space<vmem>>
    %dma_wait3A_88 = arith.constant 0 : i32
    %dma_wait3A_89 = arith.constant 0 : i32
    %dma_wait3A_90 = tpu.memref_slice %arg3[%dma_wait3A_88, %dma_wait3A_89] : memref<1000000x32xf32, #tpu.memory_space<hbm>> -> memref<1000000x32xf32, #tpu.memory_space<hbm>>
    tpu.wait_indirect_dma semaphore(%arg8 : memref<!tpu.dma_semaphore, #tpu.memory_space<semaphore_mem>>) src(%dma_wait3A_90 : memref<1000000x32xf32, #tpu.memory_space<hbm>>) dst(%dma_wait3A_84 : memref<128x32xf32, #tpu.memory_space<vmem>>)
    %dma_wait3A_91 = arith.constant 1 : i32
    %dma_wait3A_92 = arith.constant 128 : i32
    %dma_wait3A_93 = arith.constant 0 : i32
    %dma_wait3A_94 = tpu.memref_slice %arg6[%dma_wait3A_92, %dma_wait3A_93] : memref<1024x32xf32, #tpu.memory_space<vmem>> -> memref<128x32xf32, #tpu.memory_space<vmem>>
    %dma_wait3A_95 = arith.constant 0 : i32
    %dma_wait3A_96 = tpu.memref_slice %arg5[%dma_wait3A_91, %dma_wait3A_95] : memref<8x128xi32, #tpu.memory_space<vmem>> -> memref<1x128xi32, #tpu.memory_space<vmem>>
    %dma_wait3A_97 = tpu.memref_squeeze %dma_wait3A_96 : memref<1x128xi32, #tpu.memory_space<vmem>> -> memref<128xi32, #tpu.memory_space<vmem>>
    %dma_wait3A_98 = arith.constant 0 : i32
    %dma_wait3A_99 = arith.constant 0 : i32
    %dma_wait3A_100 = tpu.memref_slice %arg3[%dma_wait3A_98, %dma_wait3A_99] : memref<1000000x32xf32, #tpu.memory_space<hbm>> -> memref<1000000x32xf32, #tpu.memory_space<hbm>>
    tpu.wait_indirect_dma semaphore(%arg8 : memref<!tpu.dma_semaphore, #tpu.memory_space<semaphore_mem>>) src(%dma_wait3A_100 : memref<1000000x32xf32, #tpu.memory_space<hbm>>) dst(%dma_wait3A_94 : memref<128x32xf32, #tpu.memory_space<vmem>>)
    %dma_wait3A_101 = arith.constant 2 : i32
    %dma_wait3A_102 = arith.constant 256 : i32
    %dma_wait3A_103 = arith.constant 0 : i32
    %dma_wait3A_104 = tpu.memref_slice %arg6[%dma_wait3A_102, %dma_wait3A_103] : memref<1024x32xf32, #tpu.memory_space<vmem>> -> memref<128x32xf32, #tpu.memory_space<vmem>>
    %dma_wait3A_105 = arith.constant 0 : i32
    %dma_wait3A_106 = tpu.memref_slice %arg5[%dma_wait3A_101, %dma_wait3A_105] : memref<8x128xi32, #tpu.memory_space<vmem>> -> memref<1x128xi32, #tpu.memory_space<vmem>>
    %dma_wait3A_107 = tpu.memref_squeeze %dma_wait3A_106 : memref<1x128xi32, #tpu.memory_space<vmem>> -> memref<128xi32, #tpu.memory_space<vmem>>
    %dma_wait3A_108 = arith.constant 0 : i32
    %dma_wait3A_109 = arith.constant 0 : i32
    %dma_wait3A_110 = tpu.memref_slice %arg3[%dma_wait3A_108, %dma_wait3A_109] : memref<1000000x32xf32, #tpu.memory_space<hbm>> -> memref<1000000x32xf32, #tpu.memory_space<hbm>>
    tpu.wait_indirect_dma semaphore(%arg8 : memref<!tpu.dma_semaphore, #tpu.memory_space<semaphore_mem>>) src(%dma_wait3A_110 : memref<1000000x32xf32, #tpu.memory_space<hbm>>) dst(%dma_wait3A_104 : memref<128x32xf32, #tpu.memory_space<vmem>>)
    %dma_wait3A_111 = arith.constant 3 : i32
    %dma_wait3A_112 = arith.constant 384 : i32
    %dma_wait3A_113 = arith.constant 0 : i32
    %dma_wait3A_114 = tpu.memref_slice %arg6[%dma_wait3A_112, %dma_wait3A_113] : memref<1024x32xf32, #tpu.memory_space<vmem>> -> memref<128x32xf32, #tpu.memory_space<vmem>>
    %dma_wait3A_115 = arith.constant 0 : i32
    %dma_wait3A_116 = tpu.memref_slice %arg5[%dma_wait3A_111, %dma_wait3A_115] : memref<8x128xi32, #tpu.memory_space<vmem>> -> memref<1x128xi32, #tpu.memory_space<vmem>>
    %dma_wait3A_117 = tpu.memref_squeeze %dma_wait3A_116 : memref<1x128xi32, #tpu.memory_space<vmem>> -> memref<128xi32, #tpu.memory_space<vmem>>
    %dma_wait3A_118 = arith.constant 0 : i32
    %dma_wait3A_119 = arith.constant 0 : i32
    %dma_wait3A_120 = tpu.memref_slice %arg3[%dma_wait3A_118, %dma_wait3A_119] : memref<1000000x32xf32, #tpu.memory_space<hbm>> -> memref<1000000x32xf32, #tpu.memory_space<hbm>>
    tpu.wait_indirect_dma semaphore(%arg8 : memref<!tpu.dma_semaphore, #tpu.memory_space<semaphore_mem>>) src(%dma_wait3A_120 : memref<1000000x32xf32, #tpu.memory_space<hbm>>) dst(%dma_wait3A_114 : memref<128x32xf32, #tpu.memory_space<vmem>>)
    %dma_wait3A_121 = arith.constant 4 : i32
    %dma_wait3A_122 = arith.constant 512 : i32
    %dma_wait3A_123 = arith.constant 0 : i32
    %dma_wait3A_124 = tpu.memref_slice %arg6[%dma_wait3A_122, %dma_wait3A_123] : memref<1024x32xf32, #tpu.memory_space<vmem>> -> memref<128x32xf32, #tpu.memory_space<vmem>>
    %dma_wait3A_125 = arith.constant 0 : i32
    %dma_wait3A_126 = tpu.memref_slice %arg5[%dma_wait3A_121, %dma_wait3A_125] : memref<8x128xi32, #tpu.memory_space<vmem>> -> memref<1x128xi32, #tpu.memory_space<vmem>>
    %dma_wait3A_127 = tpu.memref_squeeze %dma_wait3A_126 : memref<1x128xi32, #tpu.memory_space<vmem>> -> memref<128xi32, #tpu.memory_space<vmem>>
    %dma_wait3A_128 = arith.constant 0 : i32
    %dma_wait3A_129 = arith.constant 0 : i32
    %dma_wait3A_130 = tpu.memref_slice %arg3[%dma_wait3A_128, %dma_wait3A_129] : memref<1000000x32xf32, #tpu.memory_space<hbm>> -> memref<1000000x32xf32, #tpu.memory_space<hbm>>
    tpu.wait_indirect_dma semaphore(%arg8 : memref<!tpu.dma_semaphore, #tpu.memory_space<semaphore_mem>>) src(%dma_wait3A_130 : memref<1000000x32xf32, #tpu.memory_space<hbm>>) dst(%dma_wait3A_124 : memref<128x32xf32, #tpu.memory_space<vmem>>)
    %dma_wait3A_131 = arith.constant 5 : i32
    %dma_wait3A_132 = arith.constant 640 : i32
    %dma_wait3A_133 = arith.constant 0 : i32
    %dma_wait3A_134 = tpu.memref_slice %arg6[%dma_wait3A_132, %dma_wait3A_133] : memref<1024x32xf32, #tpu.memory_space<vmem>> -> memref<128x32xf32, #tpu.memory_space<vmem>>
    %dma_wait3A_135 = arith.constant 0 : i32
    %dma_wait3A_136 = tpu.memref_slice %arg5[%dma_wait3A_131, %dma_wait3A_135] : memref<8x128xi32, #tpu.memory_space<vmem>> -> memref<1x128xi32, #tpu.memory_space<vmem>>
    %dma_wait3A_137 = tpu.memref_squeeze %dma_wait3A_136 : memref<1x128xi32, #tpu.memory_space<vmem>> -> memref<128xi32, #tpu.memory_space<vmem>>
    %dma_wait3A_138 = arith.constant 0 : i32
    %dma_wait3A_139 = arith.constant 0 : i32
    %dma_wait3A_140 = tpu.memref_slice %arg3[%dma_wait3A_138, %dma_wait3A_139] : memref<1000000x32xf32, #tpu.memory_space<hbm>> -> memref<1000000x32xf32, #tpu.memory_space<hbm>>
    tpu.wait_indirect_dma semaphore(%arg8 : memref<!tpu.dma_semaphore, #tpu.memory_space<semaphore_mem>>) src(%dma_wait3A_140 : memref<1000000x32xf32, #tpu.memory_space<hbm>>) dst(%dma_wait3A_134 : memref<128x32xf32, #tpu.memory_space<vmem>>)
    %dma_wait3A_141 = arith.constant 6 : i32
    %dma_wait3A_142 = arith.constant 768 : i32
    %dma_wait3A_143 = arith.constant 0 : i32
    %dma_wait3A_144 = tpu.memref_slice %arg6[%dma_wait3A_142, %dma_wait3A_143] : memref<1024x32xf32, #tpu.memory_space<vmem>> -> memref<128x32xf32, #tpu.memory_space<vmem>>
    %dma_wait3A_145 = arith.constant 0 : i32
    %dma_wait3A_146 = tpu.memref_slice %arg5[%dma_wait3A_141, %dma_wait3A_145] : memref<8x128xi32, #tpu.memory_space<vmem>> -> memref<1x128xi32, #tpu.memory_space<vmem>>
    %dma_wait3A_147 = tpu.memref_squeeze %dma_wait3A_146 : memref<1x128xi32, #tpu.memory_space<vmem>> -> memref<128xi32, #tpu.memory_space<vmem>>
    %dma_wait3A_148 = arith.constant 0 : i32
    %dma_wait3A_149 = arith.constant 0 : i32
    %dma_wait3A_150 = tpu.memref_slice %arg3[%dma_wait3A_148, %dma_wait3A_149] : memref<1000000x32xf32, #tpu.memory_space<hbm>> -> memref<1000000x32xf32, #tpu.memory_space<hbm>>
    tpu.wait_indirect_dma semaphore(%arg8 : memref<!tpu.dma_semaphore, #tpu.memory_space<semaphore_mem>>) src(%dma_wait3A_150 : memref<1000000x32xf32, #tpu.memory_space<hbm>>) dst(%dma_wait3A_144 : memref<128x32xf32, #tpu.memory_space<vmem>>)
    %dma_wait3A_151 = arith.constant 7 : i32
    %dma_wait3A_152 = arith.constant 896 : i32
    %dma_wait3A_153 = arith.constant 0 : i32
    %dma_wait3A_154 = tpu.memref_slice %arg6[%dma_wait3A_152, %dma_wait3A_153] : memref<1024x32xf32, #tpu.memory_space<vmem>> -> memref<128x32xf32, #tpu.memory_space<vmem>>
    %dma_wait3A_155 = arith.constant 0 : i32
    %dma_wait3A_156 = tpu.memref_slice %arg5[%dma_wait3A_151, %dma_wait3A_155] : memref<8x128xi32, #tpu.memory_space<vmem>> -> memref<1x128xi32, #tpu.memory_space<vmem>>
    %dma_wait3A_157 = tpu.memref_squeeze %dma_wait3A_156 : memref<1x128xi32, #tpu.memory_space<vmem>> -> memref<128xi32, #tpu.memory_space<vmem>>
    %dma_wait3A_158 = arith.constant 0 : i32
    %dma_wait3A_159 = arith.constant 0 : i32
    %dma_wait3A_160 = tpu.memref_slice %arg3[%dma_wait3A_158, %dma_wait3A_159] : memref<1000000x32xf32, #tpu.memory_space<hbm>> -> memref<1000000x32xf32, #tpu.memory_space<hbm>>
    tpu.wait_indirect_dma semaphore(%arg8 : memref<!tpu.dma_semaphore, #tpu.memory_space<semaphore_mem>>) src(%dma_wait3A_160 : memref<1000000x32xf32, #tpu.memory_space<hbm>>) dst(%dma_wait3A_154 : memref<128x32xf32, #tpu.memory_space<vmem>>)
    %iota3A = tpu.iota {dimensions = array<i32: 0>} : vector<16xi32>
    %scan3A = arith.constant 0 : i32
    %scan3A_161 = arith.constant 32 : i32
    %scan3A_162 = arith.addi %scan3A, %scan3A_161 : i32
    %scan3A_163 = arith.constant 1 : i32
    scf.for %scan3A_167 = %scan3A to %scan3A_162 step %scan3A_163  : i32 {
      %mul3A_168 = arith.constant 32 : i32
      %mul3A_169 = arith.muli %mul3A_168, %scan3A_167 : i32
      %mul3A_170 = arith.constant 2 : i32
      %mul3A_171 = vector.broadcast %mul3A_170 : i32 to vector<16xi32>
      %mul3A_172 = arith.muli %mul3A_171, %iota3A : vector<16xi32>
      %add3A_173 = vector.broadcast %mul3A_169 : i32 to vector<16xi32>
      %add3A_174 = arith.addi %add3A_173, %mul3A_172 : vector<16xi32>
      %add3A_175 = arith.constant 1 : i32
      %add3A_176 = vector.broadcast %add3A_175 : i32 to vector<16xi32>
      %add3A_177 = arith.addi %add3A_174, %add3A_176 : vector<16xi32>
      %broadcast_in_dim3A = arith.constant 0.000000e+00 : f32
      %broadcast_in_dim3A_178 = vector.broadcast %broadcast_in_dim3A : f32 to vector<16xf32>
      %broadcast_in_dim3A_179 = arith.constant 0 : i32
      %broadcast_in_dim3A_180 = vector.broadcast %broadcast_in_dim3A_179 : i32 to vector<16xi32>
      %gather3A = tpu.vector_load_idx %arg6[%add3A_174, %broadcast_in_dim3A_180] : memref<1024x32xf32, #tpu.memory_space<vmem>>[vector<16xi32>, vector<16xi32>], vector<16xf32>,
      %gather3A_181 = tpu.vector_load_idx %arg6[%add3A_177, %broadcast_in_dim3A_180] : memref<1024x32xf32, #tpu.memory_space<vmem>>[vector<16xi32>, vector<16xi32>], vector<16xf32>,
      %sub3A = arith.subf %gather3A, %gather3A_181 : vector<16xf32>
      %mul3A_182 = arith.mulf %sub3A, %sub3A : vector<16xf32>
      %add3A_183 = arith.addf %broadcast_in_dim3A_178, %mul3A_182 : vector<16xf32>
      %broadcast_in_dim3A_184 = arith.constant 1 : i32
      %broadcast_in_dim3A_185 = vector.broadcast %broadcast_in_dim3A_184 : i32 to vector<16xi32>
      %gather3A_186 = tpu.vector_load_idx %arg6[%add3A_174, %broadcast_in_dim3A_185] : memref<1024x32xf32, #tpu.memory_space<vmem>>[vector<16xi32>, vector<16xi32>], vector<16xf32>,
      %gather3A_187 = tpu.vector_load_idx %arg6[%add3A_177, %broadcast_in_dim3A_185] : memref<1024x32xf32, #tpu.memory_space<vmem>>[vector<16xi32>, vector<16xi32>], vector<16xf32>,
      %sub3A_188 = arith.subf %gather3A_186, %gather3A_187 : vector<16xf32>
      %mul3A_189 = arith.mulf %sub3A_188, %sub3A_188 : vector<16xf32>
      %add3A_190 = arith.addf %add3A_183, %mul3A_189 : vector<16xf32>
      %broadcast_in_dim3A_191 = arith.constant 2 : i32
      %broadcast_in_dim3A_192 = vector.broadcast %broadcast_in_dim3A_191 : i32 to vector<16xi32>
      %gather3A_193 = tpu.vector_load_idx %arg6[%add3A_174, %broadcast_in_dim3A_192] : memref<1024x32xf32, #tpu.memory_space<vmem>>[vector<16xi32>, vector<16xi32>], vector<16xf32>,
      %gather3A_194 = tpu.vector_load_idx %arg6[%add3A_177, %broadcast_in_dim3A_192] : memref<1024x32xf32, #tpu.memory_space<vmem>>[vector<16xi32>, vector<16xi32>], vector<16xf32>,
      %sub3A_195 = arith.subf %gather3A_193, %gather3A_194 : vector<16xf32>
      %mul3A_196 = arith.mulf %sub3A_195, %sub3A_195 : vector<16xf32>
      %add3A_197 = arith.addf %add3A_190, %mul3A_196 : vector<16xf32>
      %broadcast_in_dim3A_198 = arith.constant 3 : i32
      %broadcast_in_dim3A_199 = vector.broadcast %broadcast_in_dim3A_198 : i32 to vector<16xi32>
      %gather3A_200 = tpu.vector_load_idx %arg6[%add3A_174, %broadcast_in_dim3A_199] : memref<1024x32xf32, #tpu.memory_space<vmem>>[vector<16xi32>, vector<16xi32>], vector<16xf32>,
      %gather3A_201 = tpu.vector_load_idx %arg6[%add3A_177, %broadcast_in_dim3A_199] : memref<1024x32xf32, #tpu.memory_space<vmem>>[vector<16xi32>, vector<16xi32>], vector<16xf32>,
      %sub3A_202 = arith.subf %gather3A_200, %gather3A_201 : vector<16xf32>
      %mul3A_203 = arith.mulf %sub3A_202, %sub3A_202 : vector<16xf32>
      %add3A_204 = arith.addf %add3A_197, %mul3A_203 : vector<16xf32>
      %broadcast_in_dim3A_205 = arith.constant 4 : i32
      %broadcast_in_dim3A_206 = vector.broadcast %broadcast_in_dim3A_205 : i32 to vector<16xi32>
      %gather3A_207 = tpu.vector_load_idx %arg6[%add3A_174, %broadcast_in_dim3A_206] : memref<1024x32xf32, #tpu.memory_space<vmem>>[vector<16xi32>, vector<16xi32>], vector<16xf32>,
      %gather3A_208 = tpu.vector_load_idx %arg6[%add3A_177, %broadcast_in_dim3A_206] : memref<1024x32xf32, #tpu.memory_space<vmem>>[vector<16xi32>, vector<16xi32>], vector<16xf32>,
      %sub3A_209 = arith.subf %gather3A_207, %gather3A_208 : vector<16xf32>
      %mul3A_210 = arith.mulf %sub3A_209, %sub3A_209 : vector<16xf32>
      %add3A_211 = arith.addf %add3A_204, %mul3A_210 : vector<16xf32>
      %broadcast_in_dim3A_212 = arith.constant 5 : i32
      %broadcast_in_dim3A_213 = vector.broadcast %broadcast_in_dim3A_212 : i32 to vector<16xi32>
      %gather3A_214 = tpu.vector_load_idx %arg6[%add3A_174, %broadcast_in_dim3A_213] : memref<1024x32xf32, #tpu.memory_space<vmem>>[vector<16xi32>, vector<16xi32>], vector<16xf32>,
      %gather3A_215 = tpu.vector_load_idx %arg6[%add3A_177, %broadcast_in_dim3A_213] : memref<1024x32xf32, #tpu.memory_space<vmem>>[vector<16xi32>, vector<16xi32>], vector<16xf32>,
      %sub3A_216 = arith.subf %gather3A_214, %gather3A_215 : vector<16xf32>
      %mul3A_217 = arith.mulf %sub3A_216, %sub3A_216 : vector<16xf32>
      %add3A_218 = arith.addf %add3A_211, %mul3A_217 : vector<16xf32>
      %broadcast_in_dim3A_219 = arith.constant 6 : i32
      %broadcast_in_dim3A_220 = vector.broadcast %broadcast_in_dim3A_219 : i32 to vector<16xi32>
      %gather3A_221 = tpu.vector_load_idx %arg6[%add3A_174, %broadcast_in_dim3A_220] : memref<1024x32xf32, #tpu.memory_space<vmem>>[vector<16xi32>, vector<16xi32>], vector<16xf32>,
      %gather3A_222 = tpu.vector_load_idx %arg6[%add3A_177, %broadcast_in_dim3A_220] : memref<1024x32xf32, #tpu.memory_space<vmem>>[vector<16xi32>, vector<16xi32>], vector<16xf32>,
      %sub3A_223 = arith.subf %gather3A_221, %gather3A_222 : vector<16xf32>
      %mul3A_224 = arith.mulf %sub3A_223, %sub3A_223 : vector<16xf32>
      %add3A_225 = arith.addf %add3A_218, %mul3A_224 : vector<16xf32>
      %broadcast_in_dim3A_226 = arith.constant 7 : i32
      %broadcast_in_dim3A_227 = vector.broadcast %broadcast_in_dim3A_226 : i32 to vector<16xi32>
      %gather3A_228 = tpu.vector_load_idx %arg6[%add3A_174, %broadcast_in_dim3A_227] : memref<1024x32xf32, #tpu.memory_space<vmem>>[vector<16xi32>, vector<16xi32>], vector<16xf32>,
      %gather3A_229 = tpu.vector_load_idx %arg6[%add3A_177, %broadcast_in_dim3A_227] : memref<1024x32xf32, #tpu.memory_space<vmem>>[vector<16xi32>, vector<16xi32>], vector<16xf32>,
      %sub3A_230 = arith.subf %gather3A_228, %gather3A_229 : vector<16xf32>
      %mul3A_231 = arith.mulf %sub3A_230, %sub3A_230 : vector<16xf32>
      %add3A_232 = arith.addf %add3A_225, %mul3A_231 : vector<16xf32>
      %broadcast_in_dim3A_233 = arith.constant 8 : i32
      %broadcast_in_dim3A_234 = vector.broadcast %broadcast_in_dim3A_233 : i32 to vector<16xi32>
      %gather3A_235 = tpu.vector_load_idx %arg6[%add3A_174, %broadcast_in_dim3A_234] : memref<1024x32xf32, #tpu.memory_space<vmem>>[vector<16xi32>, vector<16xi32>], vector<16xf32>,
      %gather3A_236 = tpu.vector_load_idx %arg6[%add3A_177, %broadcast_in_dim3A_234] : memref<1024x32xf32, #tpu.memory_space<vmem>>[vector<16xi32>, vector<16xi32>], vector<16xf32>,
      %sub3A_237 = arith.subf %gather3A_235, %gather3A_236 : vector<16xf32>
      %mul3A_238 = arith.mulf %sub3A_237, %sub3A_237 : vector<16xf32>
      %add3A_239 = arith.addf %add3A_232, %mul3A_238 : vector<16xf32>
      %broadcast_in_dim3A_240 = arith.constant 9 : i32
      %broadcast_in_dim3A_241 = vector.broadcast %broadcast_in_dim3A_240 : i32 to vector<16xi32>
      %gather3A_242 = tpu.vector_load_idx %arg6[%add3A_174, %broadcast_in_dim3A_241] : memref<1024x32xf32, #tpu.memory_space<vmem>>[vector<16xi32>, vector<16xi32>], vector<16xf32>,
      %gather3A_243 = tpu.vector_load_idx %arg6[%add3A_177, %broadcast_in_dim3A_241] : memref<1024x32xf32, #tpu.memory_space<vmem>>[vector<16xi32>, vector<16xi32>], vector<16xf32>,
      %sub3A_244 = arith.subf %gather3A_242, %gather3A_243 : vector<16xf32>
      %mul3A_245 = arith.mulf %sub3A_244, %sub3A_244 : vector<16xf32>
      %add3A_246 = arith.addf %add3A_239, %mul3A_245 : vector<16xf32>
      %broadcast_in_dim3A_247 = arith.constant 10 : i32
      %broadcast_in_dim3A_248 = vector.broadcast %broadcast_in_dim3A_247 : i32 to vector<16xi32>
      %gather3A_249 = tpu.vector_load_idx %arg6[%add3A_174, %broadcast_in_dim3A_248] : memref<1024x32xf32, #tpu.memory_space<vmem>>[vector<16xi32>, vector<16xi32>], vector<16xf32>,
      %gather3A_250 = tpu.vector_load_idx %arg6[%add3A_177, %broadcast_in_dim3A_248] : memref<1024x32xf32, #tpu.memory_space<vmem>>[vector<16xi32>, vector<16xi32>], vector<16xf32>,
      %sub3A_251 = arith.subf %gather3A_249, %gather3A_250 : vector<16xf32>
      %mul3A_252 = arith.mulf %sub3A_251, %sub3A_251 : vector<16xf32>
      %add3A_253 = arith.addf %add3A_246, %mul3A_252 : vector<16xf32>
      %broadcast_in_dim3A_254 = arith.constant 11 : i32
      %broadcast_in_dim3A_255 = vector.broadcast %broadcast_in_dim3A_254 : i32 to vector<16xi32>
      %gather3A_256 = tpu.vector_load_idx %arg6[%add3A_174, %broadcast_in_dim3A_255] : memref<1024x32xf32, #tpu.memory_space<vmem>>[vector<16xi32>, vector<16xi32>], vector<16xf32>,
      %gather3A_257 = tpu.vector_load_idx %arg6[%add3A_177, %broadcast_in_dim3A_255] : memref<1024x32xf32, #tpu.memory_space<vmem>>[vector<16xi32>, vector<16xi32>], vector<16xf32>,
      %sub3A_258 = arith.subf %gather3A_256, %gather3A_257 : vector<16xf32>
      %mul3A_259 = arith.mulf %sub3A_258, %sub3A_258 : vector<16xf32>
      %add3A_260 = arith.addf %add3A_253, %mul3A_259 : vector<16xf32>
      %broadcast_in_dim3A_261 = arith.constant 12 : i32
      %broadcast_in_dim3A_262 = vector.broadcast %broadcast_in_dim3A_261 : i32 to vector<16xi32>
      %gather3A_263 = tpu.vector_load_idx %arg6[%add3A_174, %broadcast_in_dim3A_262] : memref<1024x32xf32, #tpu.memory_space<vmem>>[vector<16xi32>, vector<16xi32>], vector<16xf32>,
      %gather3A_264 = tpu.vector_load_idx %arg6[%add3A_177, %broadcast_in_dim3A_262] : memref<1024x32xf32, #tpu.memory_space<vmem>>[vector<16xi32>, vector<16xi32>], vector<16xf32>,
      %sub3A_265 = arith.subf %gather3A_263, %gather3A_264 : vector<16xf32>
      %mul3A_266 = arith.mulf %sub3A_265, %sub3A_265 : vector<16xf32>
      %add3A_267 = arith.addf %add3A_260, %mul3A_266 : vector<16xf32>
      %broadcast_in_dim3A_268 = arith.constant 13 : i32
      %broadcast_in_dim3A_269 = vector.broadcast %broadcast_in_dim3A_268 : i32 to vector<16xi32>
      %gather3A_270 = tpu.vector_load_idx %arg6[%add3A_174, %broadcast_in_dim3A_269] : memref<1024x32xf32, #tpu.memory_space<vmem>>[vector<16xi32>, vector<16xi32>], vector<16xf32>,
      %gather3A_271 = tpu.vector_load_idx %arg6[%add3A_177, %broadcast_in_dim3A_269] : memref<1024x32xf32, #tpu.memory_space<vmem>>[vector<16xi32>, vector<16xi32>], vector<16xf32>,
      %sub3A_272 = arith.subf %gather3A_270, %gather3A_271 : vector<16xf32>
      %mul3A_273 = arith.mulf %sub3A_272, %sub3A_272 : vector<16xf32>
      %add3A_274 = arith.addf %add3A_267, %mul3A_273 : vector<16xf32>
      %broadcast_in_dim3A_275 = arith.constant 14 : i32
      %broadcast_in_dim3A_276 = vector.broadcast %broadcast_in_dim3A_275 : i32 to vector<16xi32>
      %gather3A_277 = tpu.vector_load_idx %arg6[%add3A_174, %broadcast_in_dim3A_276] : memref<1024x32xf32, #tpu.memory_space<vmem>>[vector<16xi32>, vector<16xi32>], vector<16xf32>,
      %gather3A_278 = tpu.vector_load_idx %arg6[%add3A_177, %broadcast_in_dim3A_276] : memref<1024x32xf32, #tpu.memory_space<vmem>>[vector<16xi32>, vector<16xi32>], vector<16xf32>,
      %sub3A_279 = arith.subf %gather3A_277, %gather3A_278 : vector<16xf32>
      %mul3A_280 = arith.mulf %sub3A_279, %sub3A_279 : vector<16xf32>
      %add3A_281 = arith.addf %add3A_274, %mul3A_280 : vector<16xf32>
      %broadcast_in_dim3A_282 = arith.constant 15 : i32
      %broadcast_in_dim3A_283 = vector.broadcast %broadcast_in_dim3A_282 : i32 to vector<16xi32>
      %gather3A_284 = tpu.vector_load_idx %arg6[%add3A_174, %broadcast_in_dim3A_283] : memref<1024x32xf32, #tpu.memory_space<vmem>>[vector<16xi32>, vector<16xi32>], vector<16xf32>,
      %gather3A_285 = tpu.vector_load_idx %arg6[%add3A_177, %broadcast_in_dim3A_283] : memref<1024x32xf32, #tpu.memory_space<vmem>>[vector<16xi32>, vector<16xi32>], vector<16xf32>,
      %sub3A_286 = arith.subf %gather3A_284, %gather3A_285 : vector<16xf32>
      %mul3A_287 = arith.mulf %sub3A_286, %sub3A_286 : vector<16xf32>
      %add3A_288 = arith.addf %add3A_281, %mul3A_287 : vector<16xf32>
      %broadcast_in_dim3A_289 = arith.constant 16 : i32
      %broadcast_in_dim3A_290 = vector.broadcast %broadcast_in_dim3A_289 : i32 to vector<16xi32>
      %gather3A_291 = tpu.vector_load_idx %arg6[%add3A_174, %broadcast_in_dim3A_290] : memref<1024x32xf32, #tpu.memory_space<vmem>>[vector<16xi32>, vector<16xi32>], vector<16xf32>,
      %gather3A_292 = tpu.vector_load_idx %arg6[%add3A_177, %broadcast_in_dim3A_290] : memref<1024x32xf32, #tpu.memory_space<vmem>>[vector<16xi32>, vector<16xi32>], vector<16xf32>,
      %sub3A_293 = arith.subf %gather3A_291, %gather3A_292 : vector<16xf32>
      %mul3A_294 = arith.mulf %sub3A_293, %sub3A_293 : vector<16xf32>
      %add3A_295 = arith.addf %add3A_288, %mul3A_294 : vector<16xf32>
      %broadcast_in_dim3A_296 = arith.constant 17 : i32
      %broadcast_in_dim3A_297 = vector.broadcast %broadcast_in_dim3A_296 : i32 to vector<16xi32>
      %gather3A_298 = tpu.vector_load_idx %arg6[%add3A_174, %broadcast_in_dim3A_297] : memref<1024x32xf32, #tpu.memory_space<vmem>>[vector<16xi32>, vector<16xi32>], vector<16xf32>,
      %gather3A_299 = tpu.vector_load_idx %arg6[%add3A_177, %broadcast_in_dim3A_297] : memref<1024x32xf32, #tpu.memory_space<vmem>>[vector<16xi32>, vector<16xi32>], vector<16xf32>,
      %sub3A_300 = arith.subf %gather3A_298, %gather3A_299 : vector<16xf32>
      %mul3A_301 = arith.mulf %sub3A_300, %sub3A_300 : vector<16xf32>
      %add3A_302 = arith.addf %add3A_295, %mul3A_301 : vector<16xf32>
      %broadcast_in_dim3A_303 = arith.constant 18 : i32
      %broadcast_in_dim3A_304 = vector.broadcast %broadcast_in_dim3A_303 : i32 to vector<16xi32>
      %gather3A_305 = tpu.vector_load_idx %arg6[%add3A_174, %broadcast_in_dim3A_304] : memref<1024x32xf32, #tpu.memory_space<vmem>>[vector<16xi32>, vector<16xi32>], vector<16xf32>,
      %gather3A_306 = tpu.vector_load_idx %arg6[%add3A_177, %broadcast_in_dim3A_304] : memref<1024x32xf32, #tpu.memory_space<vmem>>[vector<16xi32>, vector<16xi32>], vector<16xf32>,
      %sub3A_307 = arith.subf %gather3A_305, %gather3A_306 : vector<16xf32>
      %mul3A_308 = arith.mulf %sub3A_307, %sub3A_307 : vector<16xf32>
      %add3A_309 = arith.addf %add3A_302, %mul3A_308 : vector<16xf32>
      %broadcast_in_dim3A_310 = arith.constant 19 : i32
      %broadcast_in_dim3A_311 = vector.broadcast %broadcast_in_dim3A_310 : i32 to vector<16xi32>
      %gather3A_312 = tpu.vector_load_idx %arg6[%add3A_174, %broadcast_in_dim3A_311] : memref<1024x32xf32, #tpu.memory_space<vmem>>[vector<16xi32>, vector<16xi32>], vector<16xf32>,
      %gather3A_313 = tpu.vector_load_idx %arg6[%add3A_177, %broadcast_in_dim3A_311] : memref<1024x32xf32, #tpu.memory_space<vmem>>[vector<16xi32>, vector<16xi32>], vector<16xf32>,
      %sub3A_314 = arith.subf %gather3A_312, %gather3A_313 : vector<16xf32>
      %mul3A_315 = arith.mulf %sub3A_314, %sub3A_314 : vector<16xf32>
      %add3A_316 = arith.addf %add3A_309, %mul3A_315 : vector<16xf32>
      %broadcast_in_dim3A_317 = arith.constant 20 : i32
      %broadcast_in_dim3A_318 = vector.broadcast %broadcast_in_dim3A_317 : i32 to vector<16xi32>
      %gather3A_319 = tpu.vector_load_idx %arg6[%add3A_174, %broadcast_in_dim3A_318] : memref<1024x32xf32, #tpu.memory_space<vmem>>[vector<16xi32>, vector<16xi32>], vector<16xf32>,
      %gather3A_320 = tpu.vector_load_idx %arg6[%add3A_177, %broadcast_in_dim3A_318] : memref<1024x32xf32, #tpu.memory_space<vmem>>[vector<16xi32>, vector<16xi32>], vector<16xf32>,
      %sub3A_321 = arith.subf %gather3A_319, %gather3A_320 : vector<16xf32>
      %mul3A_322 = arith.mulf %sub3A_321, %sub3A_321 : vector<16xf32>
      %add3A_323 = arith.addf %add3A_316, %mul3A_322 : vector<16xf32>
      %broadcast_in_dim3A_324 = arith.constant 21 : i32
      %broadcast_in_dim3A_325 = vector.broadcast %broadcast_in_dim3A_324 : i32 to vector<16xi32>
      %gather3A_326 = tpu.vector_load_idx %arg6[%add3A_174, %broadcast_in_dim3A_325] : memref<1024x32xf32, #tpu.memory_space<vmem>>[vector<16xi32>, vector<16xi32>], vector<16xf32>,
      %gather3A_327 = tpu.vector_load_idx %arg6[%add3A_177, %broadcast_in_dim3A_325] : memref<1024x32xf32, #tpu.memory_space<vmem>>[vector<16xi32>, vector<16xi32>], vector<16xf32>,
      %sub3A_328 = arith.subf %gather3A_326, %gather3A_327 : vector<16xf32>
      %mul3A_329 = arith.mulf %sub3A_328, %sub3A_328 : vector<16xf32>
      %add3A_330 = arith.addf %add3A_323, %mul3A_329 : vector<16xf32>
      %broadcast_in_dim3A_331 = arith.constant 22 : i32
      %broadcast_in_dim3A_332 = vector.broadcast %broadcast_in_dim3A_331 : i32 to vector<16xi32>
      %gather3A_333 = tpu.vector_load_idx %arg6[%add3A_174, %broadcast_in_dim3A_332] : memref<1024x32xf32, #tpu.memory_space<vmem>>[vector<16xi32>, vector<16xi32>], vector<16xf32>,
      %gather3A_334 = tpu.vector_load_idx %arg6[%add3A_177, %broadcast_in_dim3A_332] : memref<1024x32xf32, #tpu.memory_space<vmem>>[vector<16xi32>, vector<16xi32>], vector<16xf32>,
      %sub3A_335 = arith.subf %gather3A_333, %gather3A_334 : vector<16xf32>
      %mul3A_336 = arith.mulf %sub3A_335, %sub3A_335 : vector<16xf32>
      %add3A_337 = arith.addf %add3A_330, %mul3A_336 : vector<16xf32>
      %broadcast_in_dim3A_338 = arith.constant 23 : i32
      %broadcast_in_dim3A_339 = vector.broadcast %broadcast_in_dim3A_338 : i32 to vector<16xi32>
      %gather3A_340 = tpu.vector_load_idx %arg6[%add3A_174, %broadcast_in_dim3A_339] : memref<1024x32xf32, #tpu.memory_space<vmem>>[vector<16xi32>, vector<16xi32>], vector<16xf32>,
      %gather3A_341 = tpu.vector_load_idx %arg6[%add3A_177, %broadcast_in_dim3A_339] : memref<1024x32xf32, #tpu.memory_space<vmem>>[vector<16xi32>, vector<16xi32>], vector<16xf32>,
      %sub3A_342 = arith.subf %gather3A_340, %gather3A_341 : vector<16xf32>
      %mul3A_343 = arith.mulf %sub3A_342, %sub3A_342 : vector<16xf32>
      %add3A_344 = arith.addf %add3A_337, %mul3A_343 : vector<16xf32>
      %broadcast_in_dim3A_345 = arith.constant 24 : i32
      %broadcast_in_dim3A_346 = vector.broadcast %broadcast_in_dim3A_345 : i32 to vector<16xi32>
      %gather3A_347 = tpu.vector_load_idx %arg6[%add3A_174, %broadcast_in_dim3A_346] : memref<1024x32xf32, #tpu.memory_space<vmem>>[vector<16xi32>, vector<16xi32>], vector<16xf32>,
      %gather3A_348 = tpu.vector_load_idx %arg6[%add3A_177, %broadcast_in_dim3A_346] : memref<1024x32xf32, #tpu.memory_space<vmem>>[vector<16xi32>, vector<16xi32>], vector<16xf32>,
      %sub3A_349 = arith.subf %gather3A_347, %gather3A_348 : vector<16xf32>
      %mul3A_350 = arith.mulf %sub3A_349, %sub3A_349 : vector<16xf32>
      %add3A_351 = arith.addf %add3A_344, %mul3A_350 : vector<16xf32>
      %broadcast_in_dim3A_352 = arith.constant 25 : i32
      %broadcast_in_dim3A_353 = vector.broadcast %broadcast_in_dim3A_352 : i32 to vector<16xi32>
      %gather3A_354 = tpu.vector_load_idx %arg6[%add3A_174, %broadcast_in_dim3A_353] : memref<1024x32xf32, #tpu.memory_space<vmem>>[vector<16xi32>, vector<16xi32>], vector<16xf32>,
      %gather3A_355 = tpu.vector_load_idx %arg6[%add3A_177, %broadcast_in_dim3A_353] : memref<1024x32xf32, #tpu.memory_space<vmem>>[vector<16xi32>, vector<16xi32>], vector<16xf32>,
      %sub3A_356 = arith.subf %gather3A_354, %gather3A_355 : vector<16xf32>
      %mul3A_357 = arith.mulf %sub3A_356, %sub3A_356 : vector<16xf32>
      %add3A_358 = arith.addf %add3A_351, %mul3A_357 : vector<16xf32>
      %broadcast_in_dim3A_359 = arith.constant 26 : i32
      %broadcast_in_dim3A_360 = vector.broadcast %broadcast_in_dim3A_359 : i32 to vector<16xi32>
      %gather3A_361 = tpu.vector_load_idx %arg6[%add3A_174, %broadcast_in_dim3A_360] : memref<1024x32xf32, #tpu.memory_space<vmem>>[vector<16xi32>, vector<16xi32>], vector<16xf32>,
      %gather3A_362 = tpu.vector_load_idx %arg6[%add3A_177, %broadcast_in_dim3A_360] : memref<1024x32xf32, #tpu.memory_space<vmem>>[vector<16xi32>, vector<16xi32>], vector<16xf32>,
      %sub3A_363 = arith.subf %gather3A_361, %gather3A_362 : vector<16xf32>
      %mul3A_364 = arith.mulf %sub3A_363, %sub3A_363 : vector<16xf32>
      %add3A_365 = arith.addf %add3A_358, %mul3A_364 : vector<16xf32>
      %broadcast_in_dim3A_366 = arith.constant 27 : i32
      %broadcast_in_dim3A_367 = vector.broadcast %broadcast_in_dim3A_366 : i32 to vector<16xi32>
      %gather3A_368 = tpu.vector_load_idx %arg6[%add3A_174, %broadcast_in_dim3A_367] : memref<1024x32xf32, #tpu.memory_space<vmem>>[vector<16xi32>, vector<16xi32>], vector<16xf32>,
      %gather3A_369 = tpu.vector_load_idx %arg6[%add3A_177, %broadcast_in_dim3A_367] : memref<1024x32xf32, #tpu.memory_space<vmem>>[vector<16xi32>, vector<16xi32>], vector<16xf32>,
      %sub3A_370 = arith.subf %gather3A_368, %gather3A_369 : vector<16xf32>
      %mul3A_371 = arith.mulf %sub3A_370, %sub3A_370 : vector<16xf32>
      %add3A_372 = arith.addf %add3A_365, %mul3A_371 : vector<16xf32>
      %broadcast_in_dim3A_373 = arith.constant 28 : i32
      %broadcast_in_dim3A_374 = vector.broadcast %broadcast_in_dim3A_373 : i32 to vector<16xi32>
      %gather3A_375 = tpu.vector_load_idx %arg6[%add3A_174, %broadcast_in_dim3A_374] : memref<1024x32xf32, #tpu.memory_space<vmem>>[vector<16xi32>, vector<16xi32>], vector<16xf32>,
      %gather3A_376 = tpu.vector_load_idx %arg6[%add3A_177, %broadcast_in_dim3A_374] : memref<1024x32xf32, #tpu.memory_space<vmem>>[vector<16xi32>, vector<16xi32>], vector<16xf32>,
      %sub3A_377 = arith.subf %gather3A_375, %gather3A_376 : vector<16xf32>
      %mul3A_378 = arith.mulf %sub3A_377, %sub3A_377 : vector<16xf32>
      %add3A_379 = arith.addf %add3A_372, %mul3A_378 : vector<16xf32>
      %broadcast_in_dim3A_380 = arith.constant 29 : i32
      %broadcast_in_dim3A_381 = vector.broadcast %broadcast_in_dim3A_380 : i32 to vector<16xi32>
      %gather3A_382 = tpu.vector_load_idx %arg6[%add3A_174, %broadcast_in_dim3A_381] : memref<1024x32xf32, #tpu.memory_space<vmem>>[vector<16xi32>, vector<16xi32>], vector<16xf32>,
      %gather3A_383 = tpu.vector_load_idx %arg6[%add3A_177, %broadcast_in_dim3A_381] : memref<1024x32xf32, #tpu.memory_space<vmem>>[vector<16xi32>, vector<16xi32>], vector<16xf32>,
      %sub3A_384 = arith.subf %gather3A_382, %gather3A_383 : vector<16xf32>
      %mul3A_385 = arith.mulf %sub3A_384, %sub3A_384 : vector<16xf32>
      %add3A_386 = arith.addf %add3A_379, %mul3A_385 : vector<16xf32>
      %broadcast_in_dim3A_387 = arith.constant 30 : i32
      %broadcast_in_dim3A_388 = vector.broadcast %broadcast_in_dim3A_387 : i32 to vector<16xi32>
      %gather3A_389 = tpu.vector_load_idx %arg6[%add3A_174, %broadcast_in_dim3A_388] : memref<1024x32xf32, #tpu.memory_space<vmem>>[vector<16xi32>, vector<16xi32>], vector<16xf32>,
      %gather3A_390 = tpu.vector_load_idx %arg6[%add3A_177, %broadcast_in_dim3A_388] : memref<1024x32xf32, #tpu.memory_space<vmem>>[vector<16xi32>, vector<16xi32>], vector<16xf32>,
      %sub3A_391 = arith.subf %gather3A_389, %gather3A_390 : vector<16xf32>
      %mul3A_392 = arith.mulf %sub3A_391, %sub3A_391 : vector<16xf32>
      %add3A_393 = arith.addf %add3A_386, %mul3A_392 : vector<16xf32>
      %broadcast_in_dim3A_394 = arith.constant 31 : i32
      %broadcast_in_dim3A_395 = vector.broadcast %broadcast_in_dim3A_394 : i32 to vector<16xi32>
      %gather3A_396 = tpu.vector_load_idx %arg6[%add3A_174, %broadcast_in_dim3A_395] : memref<1024x32xf32, #tpu.memory_space<vmem>>[vector<16xi32>, vector<16xi32>], vector<16xf32>,
      %gather3A_397 = tpu.vector_load_idx %arg6[%add3A_177, %broadcast_in_dim3A_395] : memref<1024x32xf32, #tpu.memory_space<vmem>>[vector<16xi32>, vector<16xi32>], vector<16xf32>,
      %sub3A_398 = arith.subf %gather3A_396, %gather3A_397 : vector<16xf32>
      %mul3A_399 = arith.mulf %sub3A_398, %sub3A_398 : vector<16xf32>
      %add3A_400 = arith.addf %add3A_393, %mul3A_399 : vector<16xf32>
      %mul3A_401 = arith.constant 16 : i32
      %mul3A_402 = arith.muli %scan3A_167, %mul3A_401 : i32
      %swap3A = arith.index_cast %mul3A_402 : i32 to index
      %swap3A_403 = tpu.vector_load %arg7[%swap3A] {strides = array<i32>} : memref<512xf32, #tpu.memory_space<vmem>>, vector<16xf32>,
      tpu.vector_store %arg7[%swap3A], %add3A_400 {strides = array<i32>} : memref<512xf32, #tpu.memory_space<vmem>>, vector<16xf32>,
    }
    %scan3A_164 = arith.constant 32 : i32
    %mul3A_165 = arith.constant 512 : i32
    %mul3A_166 = arith.muli %add3A, %mul3A_165 : i32
    "tpu.region"() ({
      %run_scoped3A = tpu.sem_alloc : memref<!tpu.dma_semaphore, #tpu.memory_space<semaphore_mem>>
      %dma_start3A_167 = tpu.memref_slice %arg4[%mul3A_166] : memref<16384xf32, #tpu.memory_space<hbm>> -> memref<512xf32, #tpu.memory_space<hbm>>
      %dma_start3A_168 = tpu.memref_slice %arg4[%mul3A_166] : memref<16384xf32, #tpu.memory_space<hbm>> -> memref<512xf32, #tpu.memory_space<hbm>>
      tpu.enqueue_dma source(%arg7 : memref<512xf32, #tpu.memory_space<vmem>>) target(%dma_start3A_168 : memref<512xf32, #tpu.memory_space<hbm>>) target_semaphore(%run_scoped3A : memref<!tpu.dma_semaphore, #tpu.memory_space<semaphore_mem>>)
      %dma_wait3A_169 = tpu.memref_slice %arg4[%mul3A_166] : memref<16384xf32, #tpu.memory_space<hbm>> -> memref<512xf32, #tpu.memory_space<hbm>>
      %dma_wait3A_170 = tpu.memref_slice %arg4[%mul3A_166] : memref<16384xf32, #tpu.memory_space<hbm>> -> memref<512xf32, #tpu.memory_space<hbm>>
      tpu.wait_dma2 semaphore(%run_scoped3A : memref<!tpu.dma_semaphore, #tpu.memory_space<semaphore_mem>>) src(%arg7 : memref<512xf32, #tpu.memory_space<vmem>>) dst(%dma_wait3A_170 : memref<512xf32, #tpu.memory_space<hbm>>)
      tpu.yield
    }) : () -> ()
    return
  }
}

</mosaic_0001>

<sc_bundles>
// kernel: kernel.3.cloned.1.call-start
scs
__scs_entry_jumppad:
0x0: {  	(pc) =	sbr.rel $0x88, $3  }
0x1: {  	(tag) =	ssettag $0x0;
	lr =	simm.s32 $0x1  }
0x2: {  	[smem:$0x3F9F] =	sst lr;
	_ =	strace $0xD0000000  }
0x3: {  	_ = 	snop  }
0x4: {  	_ = 	snop  }
0x5: {  	_ = 	snop  }
0x6: {  	_ = 	snop  }
0x7: {  	_ = 	snop  }
__scs_overlays_trampoline_lowered:
0x8: {  	[smem:$0x3FAE] =	sst s0  }
0x9: {  	[smem:$0x3FAF] =	sst s1  }
0xa: {  	[smem:$0x3FB0] =	sst s2  }
0xb: {  	[smem:$0x3FB1] =	sst s3  }
0xc: {  	[smem:$0x3FB2] =	sst s4  }
0xd: {  	[smem:$0x3FB3] =	sst s5  }
0xe: {  	[smem:$0x3FB4] =	sst s6  }
0xf: {  	[smem:$0x3FB5] =	sst s7  }
0x10: {  	[smem:$0x3FB6] =	sst s8  }
0x11: {  	[smem:$0x3FB7] =	sst s9;
	s0 =	simm.s32 @!p0 $0x0  }
0x12: {  	s1 =	sld [smem:$0x3F9D];
	s0 =	simm.s32 @p0 $0x1  }
0x13: {  	[smem:$0x3FB8] =	sst s0;
	s0 =	simm.s32 @!p1 $0x0  }
0x14: {  	s2 =	sld [smem:$0x3F9C];
	s0 =	simm.s32 @p1 $0x1  }
0x15: {  	[smem:$0x3FB9] =	sst s0;
	s0 =	simm.s32 @!p2 $0x0  }
0x16: {  	s3 =	sld [smem:$0x3FDB];
	s0 =	simm.s32 @p2 $0x1  }
0x17: {  	s4 =	simm.s32 $0x1BF5;
	[smem:$0x3FBB] =	sst s0  }
0x18: {  	s0 =	sld [smem:$0x3F9E];
	_ =	swait.ge [sflag:s4], $0x0  }
0x19: {  	s7 =	sld [smem:$0x3F9F]  }
0x1a: {  	s8 =	sadd.s32 $0xFFFFE003, lr  }
0x1b: {  	s9 =	sadd.s32 $0xFFFFFEF7, lr;
	s5 =	simm.s32 $0xFFFFFFFF;
	p2 =	slt.u32 s8, $0xFFFFF086  }
0x1c: {  	p1 =	slt.u32 s9, $0xF7A;
	s5 =	simm.s32 @!p2 $0x0  }
0x1d: {  	s5 =	simm.s32 @p1 $0x1;
	p0 =	seq.s32 s7, s2  }
0x1e: {  	s7 =	smul.u32 @!p0 $0xF7A, s2;
	p2 =	seq.s32 @!p0 s5, $0x0  }
0x1f: {  	s9 =	smul.u32 $0xF7A, s1;
	s8 =	simm.s32 @!p0 $0x1BF5;
	p2 =	por !p2, p0  }
0x20: {  	[sflag:s8] =	ssyncset.s32 @!p0 $0xFFFFF086;
	s6 =	sadd.s32 @!p0 s3, s7;
	s7 =	simm.s32 @!p0 $0x108  }
0x21: {  	s3 =	sadd.s32 s3, s9;
	s6 =	sadd.s32 @!p0 $0x88, s6;
	s7 =	simm.s32 @p2 $0x1082  }
0x22: {  	[simem:s7], [sflag:s8] =	dma.local @!p0 [hbm:s6], $0xF7A  }
0x23: {  	s9 =	sor.u32 $0xD0000000, s2;
	s6 =	simm.s32 $0x108;
	_ =	swait.ge @!p0 [sflag:s8], $0x0  }
0x24: {  	s3 =	sadd.s32 $0x88, s3;
	s6 =	simm.s32 @!p1 $0x1082;
	[sflag:s4] =	ssyncset.s32 $0xFFFFF086  }
0x25: {  	[simem:s6], [sflag:s4] =	dma.local [hbm:s3], $0xF7A  }
0x26: {  	[smem:$0x3F9F] =	sst s1;
	(tag) =	ssettag s2;
	_ =	strace s9  }
0x27: {  	s1 =	sld [smem:$0x3FAF]  }
0x28: {  	s2 =	sld [smem:$0x3FB0]  }
0x29: {  	s4 =	sld [smem:$0x3FB2]  }
0x2a: {  	p0 =	seq.s32 s5, $0x0;
	s5 =	sld [smem:$0x3FB3]  }
0x2b: {  	s6 =	sld [smem:$0x3FB4]  }
0x2c: {  	s7 =	sld [smem:$0x3FB5]  }
0x2d: {  	s3 =	simm.s32 $0x108;
	s8 =	sld [smem:$0x3FB6]  }
0x2e: {  	s3 =	simm.s32 @!p0 $0x1082;
	s9 =	sld [smem:$0x3FB7]  }
0x2f: {  	lr =	sadd.s32 s0, s3;
	s0 =	sld [smem:$0x3FAE]  }
0x30: {  	s3 =	sld [smem:$0x3FB1]  }
0x31: {  	[smem:$0x3FBA] =	sst s10  }
0x32: {  	s10 =	sld [smem:$0x3FB8];
	_ =	sdelay $0x3  }
0x33: {  	p0 =	seq.s32 s10, $0x1;
	s10 =	sld [smem:$0x3FBA];
	_ =	sdelay $0x3  }
0x34: {  	[smem:$0x3FBA] =	sst s10  }
0x35: {  	s10 =	sld [smem:$0x3FB9];
	_ =	sdelay $0x3  }
0x36: {  	p1 =	seq.s32 s10, $0x1;
	s10 =	sld [smem:$0x3FBA];
	_ =	sdelay $0x3  }
0x37: {  	[smem:$0x3FBA] =	sst s10  }
0x38: {  	s10 =	sld [smem:$0x3FBB]  }
0x39: {  	_ = 	snop;
	(pc) =	sbr.ind lr, $3  }
0x3a: {  	_ = 	snop  }
0x3b: {  	_ = 	snop  }
0x3c: {  	p2 =	seq.s32 s10, $0x1;
	s10 =	sld [smem:$0x3FBA]  }
0x3d: {  	_ =	shalt  }
0x3e: {  	_ =	shalt  }
0x3f: {  	_ =	shalt  }
0x40: {  	_ =	shalt  }
0x41: {  	_ =	shalt  }
0x42: {  	_ =	shalt  }
0x43: {  	_ =	shalt  }
0x44: {  	_ =	shalt  }
0x45: {  	_ =	shalt  }
0x46: {  	_ =	shalt  }
0x47: {  	_ =	shalt  }
0x48: {  	_ =	shalt  }
0x49: {  	_ =	shalt  }
0x4a: {  	_ =	shalt  }
0x4b: {  	_ =	shalt  }
0x4c: {  	_ =	shalt  }
0x4d: {  	_ =	shalt  }
0x4e: {  	_ =	shalt  }
0x4f: {  	_ =	shalt  }
0x50: {  	_ =	shalt  }
0x51: {  	_ =	shalt  }
0x52: {  	_ =	shalt  }
0x53: {  	_ =	shalt  }
0x54: {  	_ =	shalt  }
0x55: {  	_ =	shalt  }
0x56: {  	_ =	shalt  }
0x57: {  	_ =	shalt  }
0x58: {  	_ =	shalt  }
0x59: {  	_ =	shalt  }
0x5a: {  	_ =	shalt  }
0x5b: {  	_ =	shalt  }
0x5c: {  	_ =	shalt  }
0x5d: {  	_ =	shalt  }
0x5e: {  	_ =	shalt  }
0x5f: {  	_ =	shalt  }
0x60: {  	_ =	shalt  }
0x61: {  	_ =	shalt  }
0x62: {  	_ =	shalt  }
0x63: {  	_ =	shalt  }
0x64: {  	_ =	shalt  }
0x65: {  	_ =	shalt  }
0x66: {  	_ =	shalt  }
0x67: {  	_ =	shalt  }
0x68: {  	_ =	shalt  }
0x69: {  	_ =	shalt  }
0x6a: {  	_ =	shalt  }
0x6b: {  	_ =	shalt  }
0x6c: {  	_ =	shalt  }
0x6d: {  	_ =	shalt  }
0x6e: {  	_ =	shalt  }
0x6f: {  	_ =	shalt  }
0x70: {  	_ =	shalt  }
0x71: {  	_ =	shalt  }
0x72: {  	_ =	shalt  }
0x73: {  	_ =	shalt  }
0x74: {  	_ =	shalt  }
0x75: {  	_ =	shalt  }
0x76: {  	_ =	shalt  }
0x77: {  	_ =	shalt  }
0x78: {  	_ =	shalt  }
0x79: {  	_ =	shalt  }
0x7a: {  	_ =	shalt  }
0x7b: {  	_ =	shalt  }
0x7c: {  	_ =	shalt  }
0x7d: {  	_ =	shalt  }
0x7e: {  	_ =	shalt  }
0x7f: {  	_ =	shalt  }
0x80: {  	_ =	shalt  }
0x81: {  	_ =	shalt  }
0x82: {  	_ =	shalt  }
0x83: {  	_ =	shalt  }
0x84: {  	_ =	shalt  }
0x85: {  	_ =	shalt  }
0x86: {  	_ =	shalt  }
0x87: {  	_ =	shalt  }
.Lfunc_end0:
.L_simem_size_0:
called_computation_lowered:
.L_overlay_start_0:
0x88: {  	s2 =	sld [smem:$0x3FD9]  }
0x89: {  	s3 =	sld [smem:$0x3FFE];
	_ =	sdelay $0x1  }
0x8a: {  	s1 =	srdreg.scid  }
0x8b: {  	s0 =	sand.u32 $0x1, s1  }
0x8c: {  	s17 =	sshll.u32 s0, $0xA;
	s2 =	sadd.s32 s3, s2  }
0x8d: {  	s2 =	sadd.s32 s2, s17  }
0x8e: {  	[smem:$0x3FC6] =	sst s2  }
0x8f: {  	_ = 	snop  }
0x90: {  	s2 =	sld [smem:$0x3FD0];
	(tm) =	ssettm $0x1  }
0x91: {  	s18 =	sld [smem:$0x3FFB];
	_ =	sdelay $0x3  }
0x92: {  	_ =	strace s18  }
0x93: {  	s3 =	sld [smem:$0x3FFC];
	_ =	sdelay $0x3  }
0x94: {  	_ =	strace s3  }
0x95: {  	s3 =	sld [smem:$0x3FFD];
	_ =	sdelay $0x3  }
0x96: {  	_ =	strace s3  }
0x97: {  	_ =	strace $0x8FFFFFFF  }
0x98: {  	s19 =	sld [smem:$0x3FDB];
	_ =	sdelay $0x1  }
0x99: {  	s4 =	simm.s32 $_scs_section_size  }
0x9a: {  	s5 =	simm.s32 $_size__tile_overlayer_lowered;
	s6 =	simm.s32 $_tile_overlayer_lowered  }
0x9b: {  	s22 =	simm.s32 $0x1BFF;
	s21 =	sshll.u32 s6, $0x1;
	s3 =	sadd.s32 s4, s19  }
0x9c: {  	s7 =	simm.s32 $0x0;
	s20 =	sshll.u32 s5, $0x1;
	s5 =	sadd.s32 s21, s3  }
0x9d: {  	[timem:s7], [sflag:s22] =	dma.local [hbm:s5], s20  }
0x9e: {  	_ =	swait.ge [sflag:s22], s20  }
0x9f: {  	s4 =	ssub.s32 $0x0, s20;
	[sflag:s22] =	ssyncset.done $0x0  }
0xa0: {  	[sflag:s22] =	ssyncadd.s32 s4;
	_ =	sdelay $0x1  }
0xa1: {  	s23 =	simm.s32 $0x1B8B  }
0xa2: {  	_ =	swait.ge [sflag:s23], $0x1  }
0xa3: {  	[sflag:s23] =	ssyncset.done $0x0  }
0xa4: {  	s25 =	simm.s32 $0x1B8E;
	s24 =	sld [smem:$0x3FFE];
	[sflag:s23] =	ssyncadd.s32 $0xFFFFFFFF  }
0xa5: {  	s26 =	simm.s32 $execute0_lowered;
	[smem:$0x3FD2] =	sst s25  }
0xa6: {  	s5 =	sshll.u32 s26, $0x1;
	_ =	strace $0x80000046;
	[dreg:$0x1] =	wrdreg $0xFFFFFFFF  }
0xa7: {  	s28 =	simm.s32 $_size_execute0_lowered;
	s3 =	sadd.s32 s3, s5;
	[dreg:$0x0] =	wrdreg $0x0  }
0xa8: {  	s5 =	sshll.u32 s28, $0x1;
	[dreg:$0x2] =	wrdreg s3  }
0xa9: {  	[dreg:$0x3] =	wrdreg s5  }
0xaa: {  	[dreg:$0x4] =	wrdreg $0xC0  }
0xab: {  	_ =	task [dreg:s7], $0x5FFFF  }
0xac: {  	[dreg:$0x1] =	wrdreg $0xFFFFFFFF  }
0xad: {  	[dreg:$0x0] =	wrdreg $0x60  }
0xae: {  	[dreg:$0x2] =	wrdreg s24  }
0xaf: {  	[dreg:$0x3] =	wrdreg s2  }
0xb0: {  	[dreg:$0x4] =	wrdreg $0x9  }
0xb1: {  	_ =	task.clear_ibuf [dreg:s7], $0x5FFFF;
	_ =	strace $0x90000046  }
0xb2: {  	s29 =	simm.s32 $0x9;
	_ =	strace $0x80000048  }
0xb3: {  	_ =	swait.ge [sflag:s29], $0x1  }
0xb4: {  	[sflag:s29] =	ssyncadd.s32 $0xFFFFFFFF  }
0xb5: {  	_ =	strace $0x90000048  }
0xb6: {  	_ =	sfence  }
0xb7: {  	s30 =	sld [smem:$0x0];
	_ =	sdelay $0x2  }
0xb8: {  	s31 =	sshll.u32 s1, $0xD;
	s1 =	sshrl.u32 s1, $0x2  }
0xb9: {  	s3 =	sand.u32 $0x4000, s31;
	s1 =	sadd.s32 s1, s30  }
0xba: {  	s0 =	sor.u32 s3, s0;
	s1 =	sshll.u32 s1, $0x11  }
0xbb: {  	s0 =	sor.u32 s1, s0  }
0xbc: {  	s0 =	sadd.s32 $0x8F2B, s0  }
0xbd: {  	[sflag:s0] =	ssyncadd.remote.s32 $0x1  }
0xbe: {  	_ =	sfence.sel $0xFFFF  }
0xbf: {  	[dreg:$0x0] =	wrdreg $0xFFFFFFFF;
	(pc) =	sbr.abs _section_cstart, $3  }
0xc0: {  	[dreg:$0x1] =	wrdreg $0xFFFFFFFF  }
0xc1: {  	_ =	task.clear_ibuf [dreg:s7], $0x2FFFF;
	_ =	strace $0x9FFFFFFF  }
0xc2: {  	(tm) =	ssettm $0x7FFFFFFF  }
0xc3: {  	_ =	shalt  }
tec
execute0_lowered:
.L_overlay_start_1:
0x0: {  	(tag) =	ssettag $0x1  }
0x1: {  	s3 =	rddreg [dreg:$0x0]  }
0x2: {  	s5 =	rddreg [dreg:$0x1]  }
0x3: {  	s0 =	rddreg [dreg:$0x2];
	s4 =	srdreg.scid  }
0x4: {  	s1 =	stileid.u32;
	s2 =	simm.s32 $0x0;
	s9 =	simm.s32 $0x400  }
0x5: {  	s10 =	simm.s32 $0x1400;
	s11 =	simm.s32 $0x100;
	s12 =	simm.s32 $0x2400  }
0x6: {  	s13 =	simm.s32 $0x180;
	s14 =	simm.s32 $0x3400;
	s15 =	simm.s32 $0x200  }
0x7: {  	s16 =	simm.s32 $0x4400;
	s17 =	simm.s32 $0x280;
	s18 =	simm.s32 $0x5400  }
0x8: {  	s19 =	simm.s32 $0x300;
	s20 =	simm.s32 $0x6400;
	s21 =	simm.s32 $0x380  }
0x9: {  	s22 =	simm.s32 $0x7400;
	s23 =	simm.s32 $0x1;
	s24 =	simm.s32 $0x8400  }
0xa: {  	s25 =	simm.s32 $0x0;
	s4 =	sand.u32 $0x1, s4;
	s6 =	sshll.u32 s1, $0x1  }
0xb: {  	[smem:$0x7FF] =	sst s2;
	s6 =	sor.u32 s4, s6;
	s4 =	ssub.s32 $0x2, s4  }
0xc: {  	v0 =	vlaneseq.u32;
	_ =	strace $0x80000047;
	s7 =	sshll.u32 s6, $0x7;
	s8 =	sshrl.u32 s4, $0x1  }
0xd: {  	v0 =	vmul.u32 $0x40, v0;
	s6 =	sshll.u32 s6, $0x6;
	s7 =	sadd.s32 s7, s3;
	s3 =	sadd.s32 $0xF42A00, s3  }
0xe: {  	s8 =	ssub.s32 s4, s8;
	s5 =	sadd.s32 s5, s6;
	s4 =	sadd.s32 $0x600, s7  }
0xf: {  	v1 =	vor.u32 $0x20, v0;
	s6 =	smax.u32 s8, $0x1;
	s7 =	simm.s32 $0x2;
	s8 =	simm.s32 $0x80  }
.LBB2_1:
0x10: {  	[tilespmem:s2], [sflag:$0x2] =	stream.linear.gather [hbm4b:s4+s2], $0x400, $0x38;
	[tilespmem:$0x8600] =	vst v63  }
0x11: {  	_ =	swait.ge [sflag:s7], $0x400  }
0x12: {  	[sflag:s7] =	ssyncset.done $0x0  }
0x13: {  	[sflag:s7] =	ssyncadd.s32 $0xFFFFFC00  }
0x14: {  	[tilespmem:s9], [sflag:$0x1] =	stream.indirect.gather [hbm4b:s3+s8], $0x20, s2, s8, $0xb8;
	[tilespmem:$0x8600] =	vst v63  }
0x15: {  	_ = 	snop  }
0x16: {  	[tilespmem:s10], [sflag:$0x1] =	stream.indirect.gather [hbm4b:s3+s8], $0x20, s8, s8, $0xb8;
	[tilespmem:$0x8600] =	vst v63  }
0x17: {  	_ = 	snop  }
0x18: {  	[tilespmem:s12], [sflag:$0x1] =	stream.indirect.gather [hbm4b:s3+s8], $0x20, s11, s8, $0xb8;
	[tilespmem:$0x8600] =	vst v63  }
0x19: {  	_ = 	snop  }
0x1a: {  	[tilespmem:s14], [sflag:$0x1] =	stream.indirect.gather [hbm4b:s3+s8], $0x20, s13, s8, $0xb8;
	[tilespmem:$0x8600] =	vst v63  }
0x1b: {  	_ = 	snop  }
0x1c: {  	[tilespmem:s16], [sflag:$0x1] =	stream.indirect.gather [hbm4b:s3+s8], $0x20, s15, s8, $0xb8;
	[tilespmem:$0x8600] =	vst v63  }
0x1d: {  	_ = 	snop  }
0x1e: {  	[tilespmem:s18], [sflag:$0x1] =	stream.indirect.gather [hbm4b:s3+s8], $0x20, s17, s8, $0xb8;
	[tilespmem:$0x8600] =	vst v63  }
0x1f: {  	_ = 	snop  }
0x20: {  	[tilespmem:s20], [sflag:$0x1] =	stream.indirect.gather [hbm4b:s3+s8], $0x20, s19, s8, $0xb8;
	[tilespmem:$0x8600] =	vst v63  }
0x21: {  	_ = 	snop  }
0x22: {  	[tilespmem:s22], [sflag:$0x1] =	stream.indirect.gather [hbm4b:s3+s8], $0x20, s21, s8, $0xb8;
	[tilespmem:$0x8600] =	vst v63  }
0x23: {  	_ =	swait.ge [sflag:s23], $0x1000  }
0x24: {  	[sflag:s23] =	ssyncset.done $0x0  }
0x25: {  	[sflag:s23] =	ssyncadd.s32 $0xFFFFF000  }
0x26: {  	_ =	swait.ge [sflag:s23], $0x1000  }
0x27: {  	[sflag:s23] =	ssyncset.done $0x0  }
0x28: {  	[sflag:s23] =	ssyncadd.s32 $0xFFFFF000  }
0x29: {  	_ =	swait.ge [sflag:s23], $0x1000  }
0x2a: {  	[sflag:s23] =	ssyncset.done $0x0  }
0x2b: {  	[sflag:s23] =	ssyncadd.s32 $0xFFFFF000  }
0x2c: {  	_ =	swait.ge [sflag:s23], $0x1000  }
0x2d: {  	[sflag:s23] =	ssyncset.done $0x0  }
0x2e: {  	[sflag:s23] =	ssyncadd.s32 $0xFFFFF000  }
0x2f: {  	_ =	swait.ge [sflag:s23], $0x1000  }
0x30: {  	[sflag:s23] =	ssyncset.done $0x0  }
0x31: {  	[sflag:s23] =	ssyncadd.s32 $0xFFFFF000  }
0x32: {  	_ =	swait.ge [sflag:s23], $0x1000  }
0x33: {  	[sflag:s23] =	ssyncset.done $0x0  }
0x34: {  	v2 =	vmov s2;
	[sflag:s23] =	ssyncadd.s32 $0xFFFFF000  }
0x35: {  	v3 =	vshll.u32 v2, $0x5;
	_ =	swait.ge [sflag:s23], $0x1000  }
0x36: {  	v2 =	vor.u32 v1, v3;
	[sflag:s23] =	ssyncset.done $0x0  }
0x37: {  	v3 =	vor.u32 v0, v3;
	[sflag:s23] =	ssyncadd.s32 $0xFFFFF000  }
0x38: {  	v4 =	vor.u32 $0x1, v3;
	_ =	swait.ge [sflag:s23], $0x1000  }
0x39: {  	v5 =	vor.u32 $0x1, v2;
	[sflag:s23] =	ssyncset.done $0x0  }
0x3a: {  	v6 =	vor.u32 $0x2, v3;
	[sflag:s23] =	ssyncadd.s32 $0xFFFFF000  }
0x3b: {  	v8 =	vor.u32 $0x2, v2;
	v7 =	vld.idx.msk [tilespmem:v2+s9+$0x0], $0xffff  }
0x3c: {  	v10 =	vor.u32 $0x3, v3;
	v9 =	vld.idx.msk [tilespmem:v3+s9+$0x0], $0xffff  }
0x3d: {  	v11 =	vor.u32 $0x3, v2;
	v4 =	vld.idx.msk [tilespmem:v4+s9+$0x0], $0xffff  }
0x3e: {  	v12 =	vor.u32 $0x4, v3;
	v5 =	vld.idx.msk [tilespmem:v5+s9+$0x0], $0xffff  }
0x3f: {  	v14 =	vor.u32 $0x5, v3;
	v6 =	vld.idx.msk [tilespmem:v6+s9+$0x0], $0xffff  }
0x40: {  	v13 =	vor.u32 $0x4, v2;
	v8 =	vld.idx.msk [tilespmem:v8+s9+$0x0], $0xffff  }
0x41: {  	v15 =	vor.u32 $0x5, v2;
	v10 =	vld.idx.msk [tilespmem:v10+s9+$0x0], $0xffff  }
0x42: {  	v16 =	vor.u32 $0x6, v3;
	v11 =	vld.idx.msk [tilespmem:v11+s9+$0x0], $0xffff  }
0x43: {  	v17 =	vor.u32 $0x6, v2;
	v12 =	vld.idx.msk [tilespmem:v12+s9+$0x0], $0xffff  }
0x44: {  	v46 =	vor.u32 $0x7, v2;
	v14 =	vld.idx.msk [tilespmem:v14+s9+$0x0], $0xffff;
	v7 =	vsub.f32 v9, v7;
	v4 =	vsub.f32 v4, v5  }
0x45: {  	v45 =	vor.u32 $0x7, v3;
	v18 =	vor.u32 $0x8, v2;
	v5 =	vld.idx.msk [tilespmem:v13+s9+$0x0], $0xffff  }
0x46: {  	v15 =	vld.idx.msk [tilespmem:v15+s9+$0x0], $0xffff;
	v6 =	vsub.f32 v6, v8;
	v7 =	vmul.f32 v7, v7;
	v4 =	vmul.f32 v4, v4  }
0x47: {  	v47 =	vor.u32 $0x8, v3;
	v50 =	vor.u32 $0x9, v2;
	v16 =	vld.idx.msk [tilespmem:v16+s9+$0x0], $0xffff  }
0x48: {  	v49 =	vld.idx.msk [tilespmem:v17+s9+$0x0], $0xffff;
	v6 =	vmul.f32 v6, v6;
	v4 =	vadd.f32 v4, v7;
	v7 =	vsub.f32 v10, v11  }
0x49: {  	v48 =	vor.u32 $0x9, v3;
	v52 =	vor.u32 $0xA, v2;
	v51 =	vld.idx.msk [tilespmem:v46+s9+$0x0], $0xffff  }
0x4a: {  	v54 =	vld.idx.msk [tilespmem:v18+s9+$0x0], $0xffff;
	v5 =	vsub.f32 v12, v5;
	v4 =	vadd.f32 v6, v4;
	v6 =	vmul.f32 v7, v7  }
0x4b: {  	v55 =	vor.u32 $0xB, v2;
	v9 =	vld.idx.msk [tilespmem:v45+s9+$0x0], $0xffff;
	v7 =	vor.u32 $0xA, v3  }
0x4c: {  	v57 =	vld.idx.msk [tilespmem:v50+s9+$0x0], $0xffff;
	v5 =	vmul.f32 v5, v5;
	v4 =	vadd.f32 v6, v4;
	v6 =	vsub.f32 v14, v15  }
0x4d: {  	v53 =	vor.u32 $0xB, v3;
	v58 =	vor.u32 $0xC, v2;
	v8 =	vld.idx.msk [tilespmem:v47+s9+$0x0], $0xffff  }
0x4e: {  	v60 =	vld.idx.msk [tilespmem:v52+s9+$0x0], $0xffff;
	v4 =	vadd.f32 v5, v4;
	v5 =	vmul.f32 v6, v6;
	v6 =	vsub.f32 v16, v49  }
0x4f: {  	v56 =	vor.u32 $0xC, v3;
	v61 =	vor.u32 $0xD, v2;
	v10 =	vld.idx.msk [tilespmem:v48+s9+$0x0], $0xffff  }
0x50: {  	v63 =	vld.idx.msk [tilespmem:v55+s9+$0x0], $0xffff;
	v4 =	vadd.f32 v5, v4;
	v5 =	vmul.f32 v6, v6;
	v6 =	vsub.f32 v9, v51  }
0x51: {  	v59 =	vor.u32 $0xD, v3;
	v21 =	vor.u32 $0xE, v2;
	v7 =	vld.idx.msk [tilespmem:v7+s9+$0x0], $0xffff  }
0x52: {  	v23 =	vld.idx.msk [tilespmem:v58+s9+$0x0], $0xffff;
	v4 =	vadd.f32 v5, v4;
	v5 =	vmul.f32 v6, v6;
	v6 =	vsub.f32 v8, v54  }
0x53: {  	v62 =	vor.u32 $0xE, v3;
	v24 =	vor.u32 $0xF, v2;
	v14 =	vld.idx.msk [tilespmem:v53+s9+$0x0], $0xffff  }
0x54: {  	v25 =	vld.idx.msk [tilespmem:v61+s9+$0x0], $0xffff;
	v4 =	vadd.f32 v5, v4;
	v5 =	vmul.f32 v6, v6;
	v6 =	vsub.f32 v10, v57  }
0x55: {  	v22 =	vor.u32 $0xF, v3;
	v26 =	vor.u32 $0x10, v2;
	v11 =	vld.idx.msk [tilespmem:v56+s9+$0x0], $0xffff  }
0x56: {  	v28 =	vld.idx.msk [tilespmem:v21+s9+$0x0], $0xffff;
	v4 =	vadd.f32 v5, v4;
	v5 =	vmul.f32 v6, v6;
	v6 =	vsub.f32 v7, v60  }
0x57: {  	v29 =	vor.u32 $0x11, v2;
	v9 =	vld.idx.msk [tilespmem:v59+s9+$0x0], $0xffff;
	v7 =	vor.u32 $0x10, v3  }
0x58: {  	v31 =	vld.idx.msk [tilespmem:v24+s9+$0x0], $0xffff;
	v4 =	vadd.f32 v5, v4;
	v5 =	vmul.f32 v6, v6;
	v6 =	vsub.f32 v14, v63  }
0x59: {  	v27 =	vor.u32 $0x11, v3;
	v32 =	vor.u32 $0x12, v2;
	v8 =	vld.idx.msk [tilespmem:v62+s9+$0x0], $0xffff  }
0x5a: {  	v34 =	vld.idx.msk [tilespmem:v26+s9+$0x0], $0xffff;
	v4 =	vadd.f32 v5, v4;
	v5 =	vmul.f32 v6, v6;
	v6 =	vsub.f32 v11, v23  }
0x5b: {  	v30 =	vor.u32 $0x12, v3;
	v35 =	vor.u32 $0x13, v2;
	v10 =	vld.idx.msk [tilespmem:v22+s9+$0x0], $0xffff  }
0x5c: {  	v37 =	vld.idx.msk [tilespmem:v29+s9+$0x0], $0xffff;
	v4 =	vadd.f32 v5, v4;
	v5 =	vmul.f32 v6, v6;
	v6 =	vsub.f32 v9, v25  }
0x5d: {  	v33 =	vor.u32 $0x13, v3;
	v38 =	vor.u32 $0x14, v2;
	v7 =	vld.idx.msk [tilespmem:v7+s9+$0x0], $0xffff  }
0x5e: {  	v40 =	vld.idx.msk [tilespmem:v32+s9+$0x0], $0xffff;
	v4 =	vadd.f32 v5, v4;
	v5 =	vmul.f32 v6, v6;
	v6 =	vsub.f32 v8, v28  }
0x5f: {  	v36 =	vor.u32 $0x14, v3;
	v58 =	vor.u32 $0x1B, v2;
	v14 =	vld.idx.msk [tilespmem:v27+s9+$0x0], $0xffff  }
0x60: {  	v42 =	vld.idx.msk [tilespmem:v35+s9+$0x0], $0xffff;
	v4 =	vadd.f32 v5, v4;
	v5 =	vmul.f32 v6, v6;
	v6 =	vsub.f32 v10, v31  }
0x61: {  	v39 =	vor.u32 $0x15, v3;
	v41 =	vor.u32 $0x15, v2;
	v11 =	vld.idx.msk [tilespmem:v30+s9+$0x0], $0xffff  }
0x62: {  	v45 =	vld.idx.msk [tilespmem:v38+s9+$0x0], $0xffff;
	v4 =	vadd.f32 v5, v4;
	v5 =	vmul.f32 v6, v6;
	v6 =	vsub.f32 v7, v34  }
0x63: {  	v43 =	vor.u32 $0x16, v2;
	v9 =	vld.idx.msk [tilespmem:v33+s9+$0x0], $0xffff;
	v7 =	vor.u32 $0x16, v3  }
0x64: {  	v21 =	vld.idx.msk [tilespmem:v58+s9+$0x0], $0xffff;
	v4 =	vadd.f32 v5, v4;
	v5 =	vmul.f32 v6, v6;
	v6 =	vsub.f32 v14, v37  }
0x65: {  	v44 =	vor.u32 $0x17, v3;
	v46 =	vor.u32 $0x17, v2;
	v8 =	vld.idx.msk [tilespmem:v36+s9+$0x0], $0xffff  }
0x66: {  	v48 =	vld.idx.msk [tilespmem:v41+s9+$0x0], $0xffff;
	v4 =	vadd.f32 v5, v4;
	v5 =	vmul.f32 v6, v6;
	v6 =	vsub.f32 v11, v40  }
0x67: {  	v47 =	vor.u32 $0x18, v3;
	v49 =	vor.u32 $0x18, v2;
	v10 =	vld.idx.msk [tilespmem:v39+s9+$0x0], $0xffff  }
0x68: {  	v51 =	vld.idx.msk [tilespmem:v43+s9+$0x0], $0xffff;
	v4 =	vadd.f32 v5, v4;
	v5 =	vmul.f32 v6, v6;
	v6 =	vsub.f32 v9, v42  }
0x69: {  	v50 =	vor.u32 $0x19, v3;
	v52 =	vor.u32 $0x19, v2;
	v7 =	vld.idx.msk [tilespmem:v7+s9+$0x0], $0xffff  }
0x6a: {  	v54 =	vld.idx.msk [tilespmem:v46+s9+$0x0], $0xffff;
	v4 =	vadd.f32 v5, v4;
	v5 =	vmul.f32 v6, v6;
	v6 =	vsub.f32 v8, v45  }
0x6b: {  	v55 =	vor.u32 $0x1A, v2;
	v53 =	vor.u32 $0x1A, v3;
	v14 =	vld.idx.msk [tilespmem:v44+s9+$0x0], $0xffff  }
0x6c: {  	v57 =	vld.idx.msk [tilespmem:v49+s9+$0x0], $0xffff;
	v4 =	vadd.f32 v5, v4;
	v5 =	vmul.f32 v6, v6;
	v6 =	vsub.f32 v10, v48  }
0x6d: {  	v61 =	vor.u32 $0x1D, v3;
	v56 =	vor.u32 $0x1B, v3;
	v11 =	vld.idx.msk [tilespmem:v47+s9+$0x0], $0xffff  }
0x6e: {  	v59 =	vld.idx.msk [tilespmem:v52+s9+$0x0], $0xffff;
	v4 =	vadd.f32 v5, v4;
	v5 =	vmul.f32 v6, v6;
	v6 =	vsub.f32 v7, v51  }
0x6f: {  	v60 =	vor.u32 $0x1C, v2;
	v9 =	vld.idx.msk [tilespmem:v50+s9+$0x0], $0xffff;
	v7 =	vor.u32 $0x1C, v3  }
0x70: {  	v62 =	vld.idx.msk [tilespmem:v55+s9+$0x0], $0xffff;
	v4 =	vadd.f32 v5, v4;
	v5 =	vmul.f32 v6, v6;
	v6 =	vsub.f32 v14, v54  }
0x71: {  	v22 =	vor.u32 $0x1E, v2;
	v63 =	vor.u32 $0x1D, v2;
	v8 =	vld.idx.msk [tilespmem:v53+s9+$0x0], $0xffff  }
0x72: {  	v24 =	vld.idx.msk [tilespmem:v61+s9+$0x0], $0xffff;
	v4 =	vadd.f32 v5, v4;
	v5 =	vmul.f32 v6, v6;
	v6 =	vsub.f32 v11, v57  }
0x73: {  	v20 =	vor.u32 $0x1E, v3;
	v2 =	vor.u32 $0x1F, v2;
	v10 =	vld.idx.msk [tilespmem:v56+s9+$0x0], $0xffff  }
0x74: {  	v23 =	vld.idx.msk [tilespmem:v60+s9+$0x0], $0xffff;
	v4 =	vadd.f32 v5, v4;
	v5 =	vmul.f32 v6, v6;
	v6 =	vsub.f32 v9, v59  }
0x75: {  	v3 =	vor.u32 $0x1F, v3;
	v7 =	vld.idx.msk [tilespmem:v7+s9+$0x0], $0xffff  }
0x76: {  	v26 =	vld.idx.msk [tilespmem:v22+s9+$0x0], $0xffff;
	v4 =	vadd.f32 v5, v4;
	v5 =	vmul.f32 v6, v6;
	v6 =	vsub.f32 v8, v62  }
0x77: {  	v25 =	vld.idx.msk [tilespmem:v63+s9+$0x0], $0xffff  }
0x78: {  	v2 =	vld.idx.msk [tilespmem:v2+s9+$0x0], $0xffff;
	v4 =	vadd.f32 v5, v4;
	v5 =	vmul.f32 v6, v6;
	v6 =	vsub.f32 v10, v21  }
0x79: {  	v11 =	vld.idx.msk [tilespmem:v20+s9+$0x0], $0xffff  }
0x7a: {  	v3 =	vld.idx.msk [tilespmem:v3+s9+$0x0], $0xffff;
	v4 =	vadd.f32 v5, v4;
	v5 =	vmul.f32 v6, v6;
	v6 =	vsub.f32 v7, v23;
	_ =	sdelay $0x1  }
0x7b: {  	v4 =	vadd.f32 v5, v4;
	v5 =	vmul.f32 v6, v6;
	v6 =	vsub.f32 v24, v25;
	_ =	sdelay $0x1  }
0x7c: {  	v4 =	vadd.f32 v5, v4;
	v5 =	vmul.f32 v6, v6;
	v6 =	vsub.f32 v11, v26  }
0x7d: {  	s26 =	simm.s32 $0x20;
	v3 =	vsub.f32 v3, v2  }
0x7e: {  	v7 =	vmov s26;
	v4 =	vadd.f32 v5, v4;
	v5 =	vmul.f32 v6, v6  }
0x7f: {  	v6 =	vshll.u32 v7, $0x5  }
0x80: {  	v2 =	vor.u32 v1, v6;
	v4 =	vadd.f32 v5, v4;
	v5 =	vmul.f32 v3, v3  }
0x81: {  	v3 =	vor.u32 v0, v6  }
0x82: {  	v6 =	vor.u32 $0x1, v3;
	v4 =	vadd.f32 v5, v4  }
0x83: {  	v5 =	vor.u32 $0x1, v2  }
0x84: {  	v27 =	vor.u32 $0x2, v2;
	[tilespmem:s24+$0x0] =	vst v4  }
0x85: {  	v7 =	vor.u32 $0x2, v3;
	v4 =	vld.idx.msk [tilespmem:v2+s9+$0x0], $0xffff  }
0x86: {  	v30 =	vor.u32 $0x3, v2;
	v28 =	vld.idx.msk [tilespmem:v3+s9+$0x0], $0xffff  }
0x87: {  	v29 =	vor.u32 $0x3, v3;
	v6 =	vld.idx.msk [tilespmem:v6+s9+$0x0], $0xffff  }
0x88: {  	v31 =	vor.u32 $0x4, v3;
	v5 =	vld.idx.msk [tilespmem:v5+s9+$0x0], $0xffff  }
0x89: {  	v32 =	vor.u32 $0x4, v2;
	v8 =	vld.idx.msk [tilespmem:v27+s9+$0x0], $0xffff  }
0x8a: {  	v34 =	vor.u32 $0x5, v2;
	v7 =	vld.idx.msk [tilespmem:v7+s9+$0x0], $0xffff  }
0x8b: {  	v33 =	vor.u32 $0x5, v3;
	v11 =	vld.idx.msk [tilespmem:v30+s9+$0x0], $0xffff  }
0x8c: {  	v36 =	vor.u32 $0x6, v2;
	v10 =	vld.idx.msk [tilespmem:v29+s9+$0x0], $0xffff  }
0x8d: {  	v35 =	vor.u32 $0x6, v3;
	v12 =	vld.idx.msk [tilespmem:v31+s9+$0x0], $0xffff;
	v4 =	vsub.f32 v28, v4;
	v5 =	vsub.f32 v6, v5  }
0x8e: {  	v38 =	vor.u32 $0x7, v2;
	v37 =	vor.u32 $0x7, v3;
	v6 =	vld.idx.msk [tilespmem:v32+s9+$0x0], $0xffff  }
0x8f: {  	v15 =	vld.idx.msk [tilespmem:v34+s9+$0x0], $0xffff;
	v7 =	vsub.f32 v7, v8;
	v4 =	vmul.f32 v4, v4;
	v5 =	vmul.f32 v5, v5  }
0x90: {  	v40 =	vor.u32 $0x8, v2;
	v39 =	vor.u32 $0x8, v3;
	v14 =	vld.idx.msk [tilespmem:v33+s9+$0x0], $0xffff  }
0x91: {  	v42 =	vld.idx.msk [tilespmem:v36+s9+$0x0], $0xffff;
	v4 =	vadd.f32 v5, v4;
	v5 =	vmul.f32 v7, v7;
	v7 =	vsub.f32 v10, v11  }
0x92: {  	v43 =	vor.u32 $0x9, v2;
	v41 =	vor.u32 $0x9, v3;
	v16 =	vld.idx.msk [tilespmem:v35+s9+$0x0], $0xffff  }
0x93: {  	v44 =	vld.idx.msk [tilespmem:v38+s9+$0x0], $0xffff;
	v6 =	vsub.f32 v12, v6;
	v4 =	vadd.f32 v5, v4;
	v5 =	vmul.f32 v7, v7  }
0x94: {  	v45 =	vor.u32 $0xA, v2;
	v9 =	vld.idx.msk [tilespmem:v37+s9+$0x0], $0xffff;
	v7 =	vor.u32 $0xA, v3  }
0x95: {  	v47 =	vld.idx.msk [tilespmem:v40+s9+$0x0], $0xffff;
	v4 =	vadd.f32 v5, v4;
	v5 =	vmul.f32 v6, v6;
	v6 =	vsub.f32 v14, v15  }
0x96: {  	v48 =	vor.u32 $0xB, v2;
	v46 =	vor.u32 $0xB, v3;
	v8 =	vld.idx.msk [tilespmem:v39+s9+$0x0], $0xffff  }
0x97: {  	v50 =	vld.idx.msk [tilespmem:v43+s9+$0x0], $0xffff;
	v4 =	vadd.f32 v5, v4;
	v5 =	vmul.f32 v6, v6;
	v6 =	vsub.f32 v16, v42  }
0x98: {  	v51 =	vor.u32 $0xC, v2;
	v49 =	vor.u32 $0xC, v3;
	v10 =	vld.idx.msk [tilespmem:v41+s9+$0x0], $0xffff  }
0x99: {  	v53 =	vld.idx.msk [tilespmem:v45+s9+$0x0], $0xffff;
	v4 =	vadd.f32 v5, v4;
	v5 =	vmul.f32 v6, v6;
	v6 =	vsub.f32 v9, v44  }
0x9a: {  	v54 =	vor.u32 $0xD, v2;
	v52 =	vor.u32 $0xD, v3;
	v7 =	vld.idx.msk [tilespmem:v7+s9+$0x0], $0xffff  }
0x9b: {  	v56 =	vld.idx.msk [tilespmem:v48+s9+$0x0], $0xffff;
	v4 =	vadd.f32 v5, v4;
	v5 =	vmul.f32 v6, v6;
	v6 =	vsub.f32 v8, v47  }
0x9c: {  	v57 =	vor.u32 $0xE, v2;
	v55 =	vor.u32 $0xE, v3;
	v14 =	vld.idx.msk [tilespmem:v46+s9+$0x0], $0xffff  }
0x9d: {  	v59 =	vld.idx.msk [tilespmem:v51+s9+$0x0], $0xffff;
	v4 =	vadd.f32 v5, v4;
	v5 =	vmul.f32 v6, v6;
	v6 =	vsub.f32 v10, v50  }
0x9e: {  	v60 =	vor.u32 $0xF, v2;
	v58 =	vor.u32 $0xF, v3;
	v11 =	vld.idx.msk [tilespmem:v49+s9+$0x0], $0xffff  }
0x9f: {  	v61 =	vld.idx.msk [tilespmem:v54+s9+$0x0], $0xffff;
	v4 =	vadd.f32 v5, v4;
	v5 =	vmul.f32 v6, v6;
	v6 =	vsub.f32 v7, v53  }
0xa0: {  	v62 =	vor.u32 $0x10, v2;
	v9 =	vld.idx.msk [tilespmem:v52+s9+$0x0], $0xffff;
	v7 =	vor.u32 $0x10, v3  }
0xa1: {  	v21 =	vld.idx.msk [tilespmem:v57+s9+$0x0], $0xffff;
	v4 =	vadd.f32 v5, v4;
	v5 =	vmul.f32 v6, v6;
	v6 =	vsub.f32 v14, v56  }
0xa2: {  	v22 =	vor.u32 $0x11, v2;
	v63 =	vor.u32 $0x11, v3;
	v8 =	vld.idx.msk [tilespmem:v55+s9+$0x0], $0xffff  }
0xa3: {  	v24 =	vld.idx.msk [tilespmem:v60+s9+$0x0], $0xffff;
	v4 =	vadd.f32 v5, v4;
	v5 =	vmul.f32 v6, v6;
	v6 =	vsub.f32 v11, v59  }
0xa4: {  	v25 =	vor.u32 $0x12, v2;
	v23 =	vor.u32 $0x12, v3;
	v10 =	vld.idx.msk [tilespmem:v58+s9+$0x0], $0xffff  }
0xa5: {  	v27 =	vld.idx.msk [tilespmem:v62+s9+$0x0], $0xffff;
	v4 =	vadd.f32 v5, v4;
	v5 =	vmul.f32 v6, v6;
	v6 =	vsub.f32 v9, v61  }
0xa6: {  	v26 =	vor.u32 $0x13, v3;
	v28 =	vor.u32 $0x13, v2;
	v7 =	vld.idx.msk [tilespmem:v7+s9+$0x0], $0xffff  }
0xa7: {  	v30 =	vld.idx.msk [tilespmem:v22+s9+$0x0], $0xffff;
	v4 =	vadd.f32 v5, v4;
	v5 =	vmul.f32 v6, v6;
	v6 =	vsub.f32 v8, v21  }
0xa8: {  	v29 =	vor.u32 $0x14, v3;
	v31 =	vor.u32 $0x14, v2;
	v14 =	vld.idx.msk [tilespmem:v63+s9+$0x0], $0xffff  }
0xa9: {  	v33 =	vld.idx.msk [tilespmem:v25+s9+$0x0], $0xffff;
	v4 =	vadd.f32 v5, v4;
	v5 =	vmul.f32 v6, v6;
	v6 =	vsub.f32 v10, v24  }
0xaa: {  	v34 =	vor.u32 $0x15, v2;
	v32 =	vor.u32 $0x15, v3;
	v11 =	vld.idx.msk [tilespmem:v23+s9+$0x0], $0xffff  }
0xab: {  	v35 =	vld.idx.msk [tilespmem:v28+s9+$0x0], $0xffff;
	v4 =	vadd.f32 v5, v4;
	v5 =	vmul.f32 v6, v6;
	v6 =	vsub.f32 v7, v27  }
0xac: {  	v36 =	vor.u32 $0x16, v2;
	v9 =	vld.idx.msk [tilespmem:v26+s9+$0x0], $0xffff;
	v7 =	vor.u32 $0x16, v3  }
0xad: {  	v38 =	vld.idx.msk [tilespmem:v31+s9+$0x0], $0xffff;
	v4 =	vadd.f32 v5, v4;
	v5 =	vmul.f32 v6, v6;
	v6 =	vsub.f32 v14, v30  }
0xae: {  	v37 =	vor.u32 $0x17, v3;
	v39 =	vor.u32 $0x17, v2;
	v8 =	vld.idx.msk [tilespmem:v29+s9+$0x0], $0xffff  }
0xaf: {  	v41 =	vld.idx.msk [tilespmem:v34+s9+$0x0], $0xffff;
	v4 =	vadd.f32 v5, v4;
	v5 =	vmul.f32 v6, v6;
	v6 =	vsub.f32 v11, v33  }
0xb0: {  	v40 =	vor.u32 $0x18, v3;
	v42 =	vor.u32 $0x18, v2;
	v10 =	vld.idx.msk [tilespmem:v32+s9+$0x0], $0xffff  }
0xb1: {  	v44 =	vld.idx.msk [tilespmem:v36+s9+$0x0], $0xffff;
	v4 =	vadd.f32 v5, v4;
	v5 =	vmul.f32 v6, v6;
	v6 =	vsub.f32 v9, v35  }
0xb2: {  	v43 =	vor.u32 $0x19, v3;
	v45 =	vor.u32 $0x19, v2;
	v7 =	vld.idx.msk [tilespmem:v7+s9+$0x0], $0xffff  }
0xb3: {  	v47 =	vld.idx.msk [tilespmem:v39+s9+$0x0], $0xffff;
	v4 =	vadd.f32 v5, v4;
	v5 =	vmul.f32 v6, v6;
	v6 =	vsub.f32 v8, v38  }
0xb4: {  	v48 =	vor.u32 $0x1A, v2;
	v46 =	vor.u32 $0x1A, v3;
	v14 =	vld.idx.msk [tilespmem:v37+s9+$0x0], $0xffff  }
0xb5: {  	v50 =	vld.idx.msk [tilespmem:v42+s9+$0x0], $0xffff;
	v4 =	vadd.f32 v5, v4;
	v5 =	vmul.f32 v6, v6;
	v6 =	vsub.f32 v10, v41  }
0xb6: {  	v51 =	vor.u32 $0x1B, v2;
	v49 =	vor.u32 $0x1B, v3;
	v11 =	vld.idx.msk [tilespmem:v40+s9+$0x0], $0xffff  }
0xb7: {  	v52 =	vld.idx.msk [tilespmem:v45+s9+$0x0], $0xffff;
	v4 =	vadd.f32 v5, v4;
	v5 =	vmul.f32 v6, v6;
	v6 =	vsub.f32 v7, v44  }
0xb8: {  	v53 =	vor.u32 $0x1C, v2;
	v9 =	vld.idx.msk [tilespmem:v43+s9+$0x0], $0xffff;
	v7 =	vor.u32 $0x1C, v3  }
0xb9: {  	v55 =	vld.idx.msk [tilespmem:v48+s9+$0x0], $0xffff;
	v4 =	vadd.f32 v5, v4;
	v5 =	vmul.f32 v6, v6;
	v6 =	vsub.f32 v14, v47  }
0xba: {  	v54 =	vor.u32 $0x1D, v3;
	v56 =	vor.u32 $0x1D, v2;
	v8 =	vld.idx.msk [tilespmem:v46+s9+$0x0], $0xffff  }
0xbb: {  	v58 =	vld.idx.msk [tilespmem:v51+s9+$0x0], $0xffff;
	v4 =	vadd.f32 v5, v4;
	v5 =	vmul.f32 v6, v6;
	v6 =	vsub.f32 v11, v50  }
0xbc: {  	v57 =	vor.u32 $0x1E, v3;
	v59 =	vor.u32 $0x1E, v2;
	v10 =	vld.idx.msk [tilespmem:v49+s9+$0x0], $0xffff  }
0xbd: {  	v60 =	vld.idx.msk [tilespmem:v53+s9+$0x0], $0xffff;
	v4 =	vadd.f32 v5, v4;
	v5 =	vmul.f32 v6, v6;
	v6 =	vsub.f32 v9, v52  }
0xbe: {  	v2 =	vor.u32 $0x1F, v2;
	v3 =	vor.u32 $0x1F, v3;
	v7 =	vld.idx.msk [tilespmem:v7+s9+$0x0], $0xffff  }
0xbf: {  	v61 =	vld.idx.msk [tilespmem:v54+s9+$0x0], $0xffff;
	v4 =	vadd.f32 v5, v4;
	v5 =	vmul.f32 v6, v6;
	v6 =	vsub.f32 v8, v55  }
0xc0: {  	v62 =	vld.idx.msk [tilespmem:v56+s9+$0x0], $0xffff  }
0xc1: {  	v63 =	vld.idx.msk [tilespmem:v59+s9+$0x0], $0xffff;
	v4 =	vadd.f32 v5, v4;
	v5 =	vmul.f32 v6, v6;
	v6 =	vsub.f32 v10, v58  }
0xc2: {  	v11 =	vld.idx.msk [tilespmem:v57+s9+$0x0], $0xffff  }
0xc3: {  	v2 =	vld.idx.msk [tilespmem:v2+s9+$0x0], $0xffff;
	v4 =	vadd.f32 v5, v4;
	v5 =	vmul.f32 v6, v6;
	v6 =	vsub.f32 v7, v60  }
0xc4: {  	v3 =	vld.idx.msk [tilespmem:v3+s9+$0x0], $0xffff  }
0xc5: {  	v4 =	vadd.f32 v5, v4;
	v5 =	vmul.f32 v6, v6;
	v6 =	vsub.f32 v61, v62;
	_ =	sdelay $0x1  }
0xc6: {  	s31 =	simm.s32 $0x40;
	v4 =	vadd.f32 v5, v4;
	v5 =	vmul.f32 v6, v6;
	v6 =	vsub.f32 v11, v63  }
0xc7: {  	v7 =	vmov s31  }
0xc8: {  	v4 =	vadd.f32 v5, v4;
	v5 =	vmul.f32 v6, v6;
	v6 =	vsub.f32 v3, v2  }
0xc9: {  	v3 =	vshll.u32 v7, $0x5  }
0xca: {  	s28 =	simm.s32 $0x60;
	s26 =	simm.s32 $0x8400;
	v2 =	vor.u32 v1, v3;
	v4 =	vadd.f32 v5, v4;
	v5 =	vmul.f32 v6, v6  }
.LBB2_2:
0xcb: {  	p0 =	sne.s32 s28, $0x3E0;
	v3 =	vor.u32 v0, v3  }
0xcc: {  	v6 =	vor.u32 $0x1, v3;
	v4 =	vadd.f32 v5, v4  }
0xcd: {  	s26 =	sadd.s32 $0x10, s26;
	v5 =	vor.u32 $0x1, v2  }
0xce: {  	v7 =	vor.u32 $0x2, v3;
	[tilespmem:s26+$0x0] =	vst v4  }
0xcf: {  	v8 =	vor.u32 $0x2, v2;
	v4 =	vld.idx.msk [tilespmem:v2+s9+$0x0], $0xffff  }
0xd0: {  	v10 =	vor.u32 $0x3, v3;
	v9 =	vld.idx.msk [tilespmem:v3+s9+$0x0], $0xffff  }
0xd1: {  	v11 =	vor.u32 $0x3, v2;
	v6 =	vld.idx.msk [tilespmem:v6+s9+$0x0], $0xffff  }
0xd2: {  	v12 =	vor.u32 $0x4, v3;
	v5 =	vld.idx.msk [tilespmem:v5+s9+$0x0], $0xffff  }
0xd3: {  	v13 =	vor.u32 $0x4, v2;
	v7 =	vld.idx.msk [tilespmem:v7+s9+$0x0], $0xffff  }
0xd4: {  	v14 =	vor.u32 $0x5, v3;
	v8 =	vld.idx.msk [tilespmem:v8+s9+$0x0], $0xffff  }
0xd5: {  	v15 =	vor.u32 $0x5, v2;
	v10 =	vld.idx.msk [tilespmem:v10+s9+$0x0], $0xffff  }
0xd6: {  	v16 =	vor.u32 $0x6, v3;
	v11 =	vld.idx.msk [tilespmem:v11+s9+$0x0], $0xffff  }
0xd7: {  	v17 =	vor.u32 $0x6, v2;
	v12 =	vld.idx.msk [tilespmem:v12+s9+$0x0], $0xffff  }
0xd8: {  	v4 =	vsub.f32 v9, v4;
	v9 =	vor.u32 $0x7, v3;
	v5 =	vsub.f32 v6, v5;
	v6 =	vld.idx.msk [tilespmem:v13+s9+$0x0], $0xffff  }
0xd9: {  	v18 =	vor.u32 $0x8, v3;
	v13 =	vld.idx.msk [tilespmem:v14+s9+$0x0], $0xffff;
	v14 =	vor.u32 $0x7, v2  }
0xda: {  	v4 =	vmul.f32 v4, v4;
	v5 =	vmul.f32 v5, v5;
	v7 =	vsub.f32 v7, v8;
	v8 =	vld.idx.msk [tilespmem:v15+s9+$0x0], $0xffff  }
0xdb: {  	v19 =	vor.u32 $0x9, v3;
	v15 =	vld.idx.msk [tilespmem:v16+s9+$0x0], $0xffff;
	v16 =	vor.u32 $0x8, v2  }
0xdc: {  	v4 =	vadd.f32 v5, v4;
	v5 =	vmul.f32 v7, v7;
	v7 =	vsub.f32 v10, v11;
	v10 =	vld.idx.msk [tilespmem:v17+s9+$0x0], $0xffff  }
0xdd: {  	v11 =	vor.u32 $0x9, v2;
	v17 =	vor.u32 $0xA, v3;
	v9 =	vld.idx.msk [tilespmem:v9+s9+$0x0], $0xffff  }
0xde: {  	v4 =	vadd.f32 v5, v4;
	v5 =	vmul.f32 v7, v7;
	v6 =	vsub.f32 v12, v6;
	v7 =	vld.idx.msk [tilespmem:v14+s9+$0x0], $0xffff  }
0xdf: {  	v14 =	vor.u32 $0xA, v2;
	v12 =	vld.idx.msk [tilespmem:v18+s9+$0x0], $0xffff;
	v18 =	vor.u32 $0xB, v3  }
0xe0: {  	v4 =	vadd.f32 v5, v4;
	v5 =	vmul.f32 v6, v6;
	v6 =	vsub.f32 v13, v8;
	v8 =	vld.idx.msk [tilespmem:v16+s9+$0x0], $0xffff  }
0xe1: {  	v16 =	vor.u32 $0xB, v2;
	v13 =	vld.idx.msk [tilespmem:v19+s9+$0x0], $0xffff;
	v19 =	vor.u32 $0xC, v3  }
0xe2: {  	v4 =	vadd.f32 v5, v4;
	v5 =	vmul.f32 v6, v6;
	v6 =	vsub.f32 v15, v10;
	v10 =	vld.idx.msk [tilespmem:v11+s9+$0x0], $0xffff  }
0xe3: {  	v15 =	vor.u32 $0xC, v2;
	v11 =	vld.idx.msk [tilespmem:v17+s9+$0x0], $0xffff;
	v17 =	vor.u32 $0xD, v3  }
0xe4: {  	v4 =	vadd.f32 v5, v4;
	v5 =	vmul.f32 v6, v6;
	v6 =	vsub.f32 v9, v7;
	v7 =	vld.idx.msk [tilespmem:v14+s9+$0x0], $0xffff  }
0xe5: {  	v14 =	vor.u32 $0xD, v2;
	v9 =	vld.idx.msk [tilespmem:v18+s9+$0x0], $0xffff;
	v18 =	vor.u32 $0xE, v3  }
0xe6: {  	v4 =	vadd.f32 v5, v4;
	v5 =	vmul.f32 v6, v6;
	v6 =	vsub.f32 v12, v8;
	v8 =	vld.idx.msk [tilespmem:v16+s9+$0x0], $0xffff  }
0xe7: {  	v16 =	vor.u32 $0xE, v2;
	v12 =	vld.idx.msk [tilespmem:v19+s9+$0x0], $0xffff;
	v19 =	vor.u32 $0xF, v3  }
0xe8: {  	v4 =	vadd.f32 v5, v4;
	v5 =	vmul.f32 v6, v6;
	v6 =	vsub.f32 v13, v10;
	v10 =	vld.idx.msk [tilespmem:v15+s9+$0x0], $0xffff  }
0xe9: {  	v15 =	vor.u32 $0xF, v2;
	v13 =	vld.idx.msk [tilespmem:v17+s9+$0x0], $0xffff;
	v17 =	vor.u32 $0x10, v3  }
0xea: {  	v4 =	vadd.f32 v5, v4;
	v5 =	vmul.f32 v6, v6;
	v6 =	vsub.f32 v11, v7;
	v7 =	vld.idx.msk [tilespmem:v14+s9+$0x0], $0xffff  }
0xeb: {  	v14 =	vor.u32 $0x10, v2;
	v11 =	vld.idx.msk [tilespmem:v18+s9+$0x0], $0xffff;
	v18 =	vor.u32 $0x11, v3  }
0xec: {  	v4 =	vadd.f32 v5, v4;
	v5 =	vmul.f32 v6, v6;
	v6 =	vsub.f32 v9, v8;
	v8 =	vld.idx.msk [tilespmem:v16+s9+$0x0], $0xffff  }
0xed: {  	v16 =	vor.u32 $0x11, v2;
	v9 =	vld.idx.msk [tilespmem:v19+s9+$0x0], $0xffff;
	v19 =	vor.u32 $0x12, v3  }
0xee: {  	v4 =	vadd.f32 v5, v4;
	v5 =	vmul.f32 v6, v6;
	v6 =	vsub.f32 v12, v10;
	v10 =	vld.idx.msk [tilespmem:v15+s9+$0x0], $0xffff  }
0xef: {  	v15 =	vor.u32 $0x12, v2;
	v12 =	vld.idx.msk [tilespmem:v17+s9+$0x0], $0xffff;
	v17 =	vor.u32 $0x13, v3  }
0xf0: {  	v4 =	vadd.f32 v5, v4;
	v5 =	vmul.f32 v6, v6;
	v6 =	vsub.f32 v13, v7;
	v7 =	vld.idx.msk [tilespmem:v14+s9+$0x0], $0xffff  }
0xf1: {  	v14 =	vor.u32 $0x13, v2;
	v13 =	vld.idx.msk [tilespmem:v18+s9+$0x0], $0xffff;
	v18 =	vor.u32 $0x14, v3  }
0xf2: {  	v4 =	vadd.f32 v5, v4;
	v5 =	vmul.f32 v6, v6;
	v6 =	vsub.f32 v11, v8;
	v8 =	vld.idx.msk [tilespmem:v16+s9+$0x0], $0xffff  }
0xf3: {  	v16 =	vor.u32 $0x14, v2;
	v11 =	vld.idx.msk [tilespmem:v19+s9+$0x0], $0xffff;
	v19 =	vor.u32 $0x15, v3  }
0xf4: {  	v4 =	vadd.f32 v5, v4;
	v5 =	vmul.f32 v6, v6;
	v6 =	vsub.f32 v9, v10;
	v9 =	vld.idx.msk [tilespmem:v15+s9+$0x0], $0xffff  }
0xf5: {  	v15 =	vor.u32 $0x15, v2;
	v10 =	vld.idx.msk [tilespmem:v17+s9+$0x0], $0xffff;
	v17 =	vor.u32 $0x16, v3  }
0xf6: {  	v4 =	vadd.f32 v5, v4;
	v5 =	vmul.f32 v6, v6;
	v6 =	vsub.f32 v12, v7;
	v7 =	vld.idx.msk [tilespmem:v14+s9+$0x0], $0xffff  }
0xf7: {  	v14 =	vor.u32 $0x16, v2;
	v12 =	vld.idx.msk [tilespmem:v18+s9+$0x0], $0xffff;
	v18 =	vor.u32 $0x17, v3  }
0xf8: {  	v4 =	vadd.f32 v5, v4;
	v5 =	vmul.f32 v6, v6;
	v6 =	vsub.f32 v13, v8;
	v8 =	vld.idx.msk [tilespmem:v16+s9+$0x0], $0xffff  }
0xf9: {  	v16 =	vor.u32 $0x17, v2;
	v13 =	vld.idx.msk [tilespmem:v19+s9+$0x0], $0xffff;
	v19 =	vor.u32 $0x18, v3  }
0xfa: {  	v4 =	vadd.f32 v5, v4;
	v5 =	vmul.f32 v6, v6;
	v6 =	vsub.f32 v11, v9;
	v9 =	vld.idx.msk [tilespmem:v15+s9+$0x0], $0xffff  }
0xfb: {  	v15 =	vor.u32 $0x18, v2;
	v11 =	vld.idx.msk [tilespmem:v17+s9+$0x0], $0xffff;
	v17 =	vor.u32 $0x19, v3  }
0xfc: {  	v4 =	vadd.f32 v5, v4;
	v5 =	vmul.f32 v6, v6;
	v6 =	vsub.f32 v10, v7;
	v7 =	vld.idx.msk [tilespmem:v14+s9+$0x0], $0xffff  }
0xfd: {  	v14 =	vor.u32 $0x19, v2;
	v10 =	vld.idx.msk [tilespmem:v18+s9+$0x0], $0xffff;
	v18 =	vor.u32 $0x1A, v3  }
0xfe: {  	v4 =	vadd.f32 v5, v4;
	v5 =	vmul.f32 v6, v6;
	v6 =	vsub.f32 v12, v8;
	v8 =	vld.idx.msk [tilespmem:v16+s9+$0x0], $0xffff  }
0xff: {  	v16 =	vor.u32 $0x1A, v2;
	v12 =	vld.idx.msk [tilespmem:v19+s9+$0x0], $0xffff;
	v19 =	vor.u32 $0x1B, v3  }
0x100: {  	v4 =	vadd.f32 v5, v4;
	v5 =	vmul.f32 v6, v6;
	v6 =	vsub.f32 v13, v9;
	v9 =	vld.idx.msk [tilespmem:v15+s9+$0x0], $0xffff  }
0x101: {  	v15 =	vor.u32 $0x1B, v2;
	v13 =	vld.idx.msk [tilespmem:v17+s9+$0x0], $0xffff;
	v17 =	vor.u32 $0x1C, v3  }
0x102: {  	v4 =	vadd.f32 v5, v4;
	v5 =	vmul.f32 v6, v6;
	v6 =	vsub.f32 v11, v7;
	v7 =	vld.idx.msk [tilespmem:v14+s9+$0x0], $0xffff  }
0x103: {  	v14 =	vor.u32 $0x1C, v2;
	v11 =	vld.idx.msk [tilespmem:v18+s9+$0x0], $0xffff;
	v18 =	vor.u32 $0x1D, v3  }
0x104: {  	v4 =	vadd.f32 v5, v4;
	v5 =	vmul.f32 v6, v6;
	v6 =	vsub.f32 v10, v8;
	v8 =	vld.idx.msk [tilespmem:v16+s9+$0x0], $0xffff  }
0x105: {  	v16 =	vor.u32 $0x1D, v2;
	v10 =	vld.idx.msk [tilespmem:v19+s9+$0x0], $0xffff;
	v19 =	vor.u32 $0x1E, v3  }
0x106: {  	v4 =	vadd.f32 v5, v4;
	v5 =	vmul.f32 v6, v6;
	v6 =	vsub.f32 v12, v9;
	v9 =	vld.idx.msk [tilespmem:v15+s9+$0x0], $0xffff  }
0x107: {  	v3 =	vor.u32 $0x1F, v3;
	v15 =	vor.u32 $0x1E, v2;
	v12 =	vld.idx.msk [tilespmem:v17+s9+$0x0], $0xffff  }
0x108: {  	v4 =	vadd.f32 v5, v4;
	v5 =	vmul.f32 v6, v6;
	v6 =	vsub.f32 v13, v7;
	v7 =	vld.idx.msk [tilespmem:v14+s9+$0x0], $0xffff  }
0x109: {  	v2 =	vor.u32 $0x1F, v2;
	v13 =	vld.idx.msk [tilespmem:v18+s9+$0x0], $0xffff  }
0x10a: {  	v4 =	vadd.f32 v5, v4;
	v5 =	vmul.f32 v6, v6;
	v6 =	vsub.f32 v11, v8;
	v8 =	vld.idx.msk [tilespmem:v16+s9+$0x0], $0xffff  }
0x10b: {  	v11 =	vld.idx.msk [tilespmem:v19+s9+$0x0], $0xffff  }
0x10c: {  	v4 =	vadd.f32 v5, v4;
	v5 =	vmul.f32 v6, v6;
	v6 =	vsub.f32 v10, v9;
	v9 =	vld.idx.msk [tilespmem:v15+s9+$0x0], $0xffff  }
0x10d: {  	v3 =	vld.idx.msk [tilespmem:v3+s9+$0x0], $0xffff  }
0x10e: {  	v4 =	vadd.f32 v5, v4;
	v5 =	vmul.f32 v6, v6;
	v6 =	vsub.f32 v12, v7;
	v2 =	vld.idx.msk [tilespmem:v2+s9+$0x0], $0xffff;
	_ =	sdelay $0x1  }
0x10f: {  	v4 =	vadd.f32 v5, v4;
	v5 =	vmul.f32 v6, v6;
	v6 =	vsub.f32 v13, v8;
	_ =	sdelay $0x1  }
.Ltmp0:
0x110: {  	v4 =	vadd.f32 v5, v4;
	v5 =	vmul.f32 v6, v6;
	v6 =	vsub.f32 v11, v9;
	(pc) =	sbr.rel @p0 .LBB2_2-.Ltmp0, $4  }
0x111: {  	v7 =	vmov s28  }
0x112: {  	v4 =	vadd.f32 v5, v4;
	v5 =	vmul.f32 v6, v6;
	v6 =	vsub.f32 v3, v2  }
0x113: {  	v3 =	vshll.u32 v7, $0x5  }
0x114: {  	s28 =	sadd.s32 $0x20, s28;
	v2 =	vor.u32 v1, v3;
	v4 =	vadd.f32 v5, v4;
	v5 =	vmul.f32 v6, v6  }
0x115: {  	v3 =	vor.u32 v0, v3  }
0x116: {  	v62 =	vor.u32 $0x1, v2;
	v4 =	vadd.f32 v5, v4  }
0x117: {  	s26 =	sadd.s32 $0x10, s26;
	v8 =	vor.u32 $0x2, v2  }
0x118: {  	v6 =	vor.u32 $0x1, v3;
	[tilespmem:s26+$0x0] =	vst v4  }
0x119: {  	v11 =	vor.u32 $0x3, v2;
	v4 =	vld.idx.msk [tilespmem:v2+s9+$0x0], $0xffff  }
0x11a: {  	v7 =	vor.u32 $0x2, v3;
	v9 =	vld.idx.msk [tilespmem:v3+s9+$0x0], $0xffff  }
0x11b: {  	v13 =	vor.u32 $0x4, v2;
	v5 =	vld.idx.msk [tilespmem:v62+s9+$0x0], $0xffff  }
0x11c: {  	v10 =	vor.u32 $0x3, v3;
	v8 =	vld.idx.msk [tilespmem:v8+s9+$0x0], $0xffff  }
0x11d: {  	v15 =	vor.u32 $0x5, v2;
	v6 =	vld.idx.msk [tilespmem:v6+s9+$0x0], $0xffff  }
0x11e: {  	v12 =	vor.u32 $0x4, v3;
	v11 =	vld.idx.msk [tilespmem:v11+s9+$0x0], $0xffff  }
0x11f: {  	v17 =	vor.u32 $0x6, v2;
	v7 =	vld.idx.msk [tilespmem:v7+s9+$0x0], $0xffff  }
0x120: {  	v14 =	vor.u32 $0x5, v3;
	v63 =	vld.idx.msk [tilespmem:v13+s9+$0x0], $0xffff  }
0x121: {  	v22 =	vor.u32 $0x7, v2;
	v10 =	vld.idx.msk [tilespmem:v10+s9+$0x0], $0xffff  }
0x122: {  	v16 =	vor.u32 $0x6, v3;
	v15 =	vld.idx.msk [tilespmem:v15+s9+$0x0], $0xffff;
	v4 =	vsub.f32 v9, v4;
	v5 =	vsub.f32 v6, v5  }
0x123: {  	v18 =	vor.u32 $0x8, v2;
	v21 =	vor.u32 $0x7, v3;
	v12 =	vld.idx.msk [tilespmem:v12+s9+$0x0], $0xffff  }
0x124: {  	v27 =	vld.idx.msk [tilespmem:v17+s9+$0x0], $0xffff;
	v7 =	vsub.f32 v7, v8;
	v4 =	vmul.f32 v4, v4;
	v5 =	vmul.f32 v5, v5  }
0x125: {  	v28 =	vor.u32 $0x9, v2;
	v23 =	vor.u32 $0x8, v3;
	v14 =	vld.idx.msk [tilespmem:v14+s9+$0x0], $0xffff  }
0x126: {  	v31 =	vld.idx.msk [tilespmem:v22+s9+$0x0], $0xffff;
	v25 =	vsub.f32 v10, v11;
	v24 =	vmul.f32 v7, v7;
	v4 =	vadd.f32 v5, v4  }
0x127: {  	v32 =	vor.u32 $0xA, v2;
	v26 =	vor.u32 $0x9, v3;
	v16 =	vld.idx.msk [tilespmem:v16+s9+$0x0], $0xffff  }
0x128: {  	v36 =	vld.idx.msk [tilespmem:v18+s9+$0x0], $0xffff;
	v6 =	vsub.f32 v12, v63;
	v29 =	vmul.f32 v25, v25;
	v4 =	vadd.f32 v24, v4  }
0x129: {  	v37 =	vor.u32 $0xB, v2;
	v30 =	vor.u32 $0xA, v3;
	v9 =	vld.idx.msk [tilespmem:v21+s9+$0x0], $0xffff  }
0x12a: {  	v41 =	vld.idx.msk [tilespmem:v28+s9+$0x0], $0xffff;
	v34 =	vsub.f32 v14, v15;
	v33 =	vmul.f32 v6, v6;
	v4 =	vadd.f32 v29, v4  }
0x12b: {  	v42 =	vor.u32 $0xC, v2;
	v35 =	vor.u32 $0xB, v3;
	v8 =	vld.idx.msk [tilespmem:v23+s9+$0x0], $0xffff  }
0x12c: {  	v46 =	vld.idx.msk [tilespmem:v32+s9+$0x0], $0xffff;
	v39 =	vsub.f32 v16, v27;
	v38 =	vmul.f32 v34, v34;
	v4 =	vadd.f32 v33, v4  }
0x12d: {  	v40 =	vor.u32 $0xC, v3;
	v10 =	vld.idx.msk [tilespmem:v26+s9+$0x0], $0xffff  }
0x12e: {  	v51 =	vld.idx.msk [tilespmem:v37+s9+$0x0], $0xffff;
	v43 =	vmul.f32 v39, v39;
	v44 =	vsub.f32 v9, v31;
	v4 =	vadd.f32 v38, v4  }
0x12f: {  	v47 =	vor.u32 $0xD, v2;
	v45 =	vor.u32 $0xD, v3;
	v7 =	vld.idx.msk [tilespmem:v30+s9+$0x0], $0xffff  }
0x130: {  	v56 =	vld.idx.msk [tilespmem:v42+s9+$0x0], $0xffff;
	v49 =	vsub.f32 v8, v36;
	v48 =	vmul.f32 v44, v44;
	v4 =	vadd.f32 v43, v4  }
0x131: {  	v52 =	vor.u32 $0xE, v2;
	v50 =	vor.u32 $0xE, v3;
	v14 =	vld.idx.msk [tilespmem:v35+s9+$0x0], $0xffff  }
0x132: {  	v11 =	vld.idx.msk [tilespmem:v40+s9+$0x0], $0xffff;
	v54 =	vsub.f32 v10, v41;
	v53 =	vmul.f32 v49, v49;
	v4 =	vadd.f32 v48, v4  }
0x133: {  	v57 =	vor.u32 $0xF, v2;
	v55 =	vor.u32 $0xF, v3  }
0x134: {  	v61 =	vld.idx.msk [tilespmem:v47+s9+$0x0], $0xffff;
	v58 =	vmul.f32 v54, v54;
	v59 =	vsub.f32 v7, v46;
	v4 =	vadd.f32 v53, v4  }
0x135: {  	v60 =	vor.u32 $0x10, v3;
	v62 =	vor.u32 $0x10, v2;
	v9 =	vld.idx.msk [tilespmem:v45+s9+$0x0], $0xffff  }
0x136: {  	v23 =	vld.idx.msk [tilespmem:v52+s9+$0x0], $0xffff;
	v21 =	vsub.f32 v14, v51;
	v63 =	vmul.f32 v59, v59;
	v4 =	vadd.f32 v58, v4  }
0x137: {  	v22 =	vor.u32 $0x11, v3;
	v8 =	vld.idx.msk [tilespmem:v50+s9+$0x0], $0xffff;
	v26 =	vsub.f32 v11, v56  }
0x138: {  	v28 =	vld.idx.msk [tilespmem:v57+s9+$0x0], $0xffff;
	v24 =	vor.u32 $0x11, v2;
	v25 =	vmul.f32 v21, v21;
	v4 =	vadd.f32 v63, v4  }
0x139: {  	v27 =	vor.u32 $0x12, v3;
	v10 =	vld.idx.msk [tilespmem:v55+s9+$0x0], $0xffff;
	v30 =	vmul.f32 v26, v26  }
0x13a: {  	v7 =	vld.idx.msk [tilespmem:v60+s9+$0x0], $0xffff;
	v29 =	vor.u32 $0x12, v2;
	v31 =	vsub.f32 v9, v61;
	v4 =	vadd.f32 v25, v4  }
0x13b: {  	v32 =	vor.u32 $0x13, v3;
	v34 =	vor.u32 $0x13, v2;
	v33 =	vld.idx.msk [tilespmem:v62+s9+$0x0], $0xffff  }
0x13c: {  	v14 =	vld.idx.msk [tilespmem:v22+s9+$0x0], $0xffff;
	v36 =	vsub.f32 v8, v23;
	v35 =	vmul.f32 v31, v31;
	v4 =	vadd.f32 v30, v4  }
0x13d: {  	v37 =	vor.u32 $0x14, v3;
	v39 =	vor.u32 $0x14, v2;
	v38 =	vld.idx.msk [tilespmem:v24+s9+$0x0], $0xffff  }
0x13e: {  	v11 =	vld.idx.msk [tilespmem:v27+s9+$0x0], $0xffff;
	v41 =	vsub.f32 v10, v28;
	v40 =	vmul.f32 v36, v36;
	v4 =	vadd.f32 v35, v4  }
0x13f: {  	v42 =	vor.u32 $0x15, v3;
	v44 =	vor.u32 $0x15, v2;
	v43 =	vld.idx.msk [tilespmem:v29+s9+$0x0], $0xffff  }
0x140: {  	v9 =	vld.idx.msk [tilespmem:v32+s9+$0x0], $0xffff;
	v45 =	vmul.f32 v41, v41;
	v46 =	vsub.f32 v7, v33;
	v4 =	vadd.f32 v40, v4  }
0x141: {  	v47 =	vor.u32 $0x16, v3;
	v49 =	vor.u32 $0x16, v2;
	v48 =	vld.idx.msk [tilespmem:v34+s9+$0x0], $0xffff  }
0x142: {  	v8 =	vld.idx.msk [tilespmem:v37+s9+$0x0], $0xffff;
	v50 =	vmul.f32 v46, v46;
	v51 =	vsub.f32 v14, v38;
	v4 =	vadd.f32 v45, v4  }
0x143: {  	v52 =	vor.u32 $0x17, v3;
	v54 =	vor.u32 $0x17, v2;
	v53 =	vld.idx.msk [tilespmem:v39+s9+$0x0], $0xffff  }
0x144: {  	v10 =	vld.idx.msk [tilespmem:v42+s9+$0x0], $0xffff;
	v55 =	vmul.f32 v51, v51;
	v56 =	vsub.f32 v11, v43;
	v4 =	vadd.f32 v50, v4  }
0x145: {  	v57 =	vor.u32 $0x18, v3;
	v59 =	vor.u32 $0x18, v2;
	v58 =	vld.idx.msk [tilespmem:v44+s9+$0x0], $0xffff  }
0x146: {  	v7 =	vld.idx.msk [tilespmem:v47+s9+$0x0], $0xffff;
	v60 =	vmul.f32 v56, v56;
	v61 =	vsub.f32 v9, v48;
	v4 =	vadd.f32 v55, v4  }
0x147: {  	v21 =	vor.u32 $0x19, v2;
	v62 =	vor.u32 $0x19, v3;
	v63 =	vld.idx.msk [tilespmem:v49+s9+$0x0], $0xffff  }
0x148: {  	v14 =	vld.idx.msk [tilespmem:v52+s9+$0x0], $0xffff;
	v22 =	vmul.f32 v61, v61;
	v23 =	vsub.f32 v8, v53;
	v4 =	vadd.f32 v60, v4  }
0x149: {  	v26 =	vor.u32 $0x1A, v2;
	v24 =	vor.u32 $0x1A, v3;
	v25 =	vld.idx.msk [tilespmem:v54+s9+$0x0], $0xffff  }
0x14a: {  	v11 =	vld.idx.msk [tilespmem:v57+s9+$0x0], $0xffff;
	v27 =	vmul.f32 v23, v23;
	v28 =	vsub.f32 v10, v58;
	v4 =	vadd.f32 v22, v4  }
0x14b: {  	v31 =	vor.u32 $0x1B, v2;
	v29 =	vor.u32 $0x1B, v3;
	v30 =	vld.idx.msk [tilespmem:v59+s9+$0x0], $0xffff  }
0x14c: {  	v9 =	vld.idx.msk [tilespmem:v62+s9+$0x0], $0xffff;
	v32 =	vmul.f32 v28, v28;
	v33 =	vsub.f32 v7, v63;
	v4 =	vadd.f32 v27, v4  }
0x14d: {  	v36 =	vor.u32 $0x1C, v2;
	v34 =	vor.u32 $0x1C, v3;
	v35 =	vld.idx.msk [tilespmem:v21+s9+$0x0], $0xffff  }
0x14e: {  	v8 =	vld.idx.msk [tilespmem:v24+s9+$0x0], $0xffff;
	v37 =	vmul.f32 v33, v33;
	v38 =	vsub.f32 v14, v25;
	v4 =	vadd.f32 v32, v4  }
0x14f: {  	v41 =	vor.u32 $0x1D, v2;
	v39 =	vor.u32 $0x1D, v3;
	v40 =	vld.idx.msk [tilespmem:v26+s9+$0x0], $0xffff  }
0x150: {  	v10 =	vld.idx.msk [tilespmem:v29+s9+$0x0], $0xffff;
	v42 =	vmul.f32 v38, v38;
	v43 =	vsub.f32 v11, v30;
	v4 =	vadd.f32 v37, v4  }
0x151: {  	v46 =	vor.u32 $0x1E, v2;
	v44 =	vor.u32 $0x1E, v3;
	v45 =	vld.idx.msk [tilespmem:v31+s9+$0x0], $0xffff  }
0x152: {  	v49 =	vld.idx.msk [tilespmem:v36+s9+$0x0], $0xffff;
	v47 =	vmul.f32 v43, v43;
	v48 =	vsub.f32 v9, v35;
	v4 =	vadd.f32 v42, v4  }
0x153: {  	v2 =	vor.u32 $0x1F, v2;
	v3 =	vor.u32 $0x1F, v3;
	v7 =	vld.idx.msk [tilespmem:v34+s9+$0x0], $0xffff  }
0x154: {  	v53 =	vld.idx.msk [tilespmem:v41+s9+$0x0], $0xffff;
	v51 =	vmul.f32 v48, v48;
	v52 =	vsub.f32 v8, v40;
	v4 =	vadd.f32 v47, v4  }
0x155: {  	v50 =	vld.idx.msk [tilespmem:v39+s9+$0x0], $0xffff  }
0x156: {  	v56 =	vld.idx.msk [tilespmem:v46+s9+$0x0], $0xffff;
	v54 =	vmul.f32 v52, v52;
	v55 =	vsub.f32 v10, v45;
	v4 =	vadd.f32 v51, v4  }
0x157: {  	v11 =	vld.idx.msk [tilespmem:v44+s9+$0x0], $0xffff  }
0x158: {  	v2 =	vld.idx.msk [tilespmem:v2+s9+$0x0], $0xffff;
	v58 =	vsub.f32 v7, v49;
	v57 =	vmul.f32 v55, v55;
	v4 =	vadd.f32 v54, v4  }
0x159: {  	v3 =	vld.idx.msk [tilespmem:v3+s9+$0x0], $0xffff  }
0x15a: {  	v59 =	vmul.f32 v58, v58;
	v60 =	vsub.f32 v50, v53;
	v4 =	vadd.f32 v57, v4;
	_ =	sdelay $0x1  }
0x15b: {  	v62 =	vsub.f32 v11, v56;
	v61 =	vmul.f32 v60, v60;
	v4 =	vadd.f32 v59, v4;
	_ =	sdelay $0x1  }
0x15c: {  	v2 =	vsub.f32 v3, v2;
	v63 =	vmul.f32 v62, v62;
	v4 =	vadd.f32 v61, v4;
	_ =	sdelay $0x1  }
0x15d: {  	v2 =	vmul.f32 v2, v2;
	v3 =	vadd.f32 v63, v4;
	_ =	sdelay $0x1  }
0x15e: {  	s25 =	sadd.s32 $0x1, s25;
	v2 =	vadd.f32 v2, v3  }
0x15f: {  	p0 =	sne.s32 s25, s6;
	s26 =	sadd.s32 $0x10, s26  }
.Ltmp1:
0x160: {  	[tilespmem:s26+$0x0] =	vst v2;
	(pc) =	sbr.rel @p0 .LBB2_1-.Ltmp1, $4  }
0x161: {  	[hbm4b:s5+s2] =	stream.linear.scatter [tilespmem:s24], [sflag:$0x2], $0x200, $0x38;
	[tilespmem:$0x8600] =	vst v63  }
0x162: {  	_ =	swait.ge [sflag:s7], $0x200  }
0x163: {  	[sflag:s7] =	ssyncset.done $0x0  }
0x164: {  	[sflag:s7] =	ssyncadd.s32 $0xFFFFFE00  }
0x165: {  	_ =	sfence.sel $0x180000  }
0x166: {  	[bflag:$0x0] =	sbarrier.arrive $0xFFFF  }
0x167: {  	p0 =	sne.s32 s1, $0x0;
	_ =	strace $0x90000047  }
0x168: {  	s0 =	sadd.s32 @!p0 $0x100000, s0;
	[bflag:$0x2] =	sbarrier.arrive $0xFFFF  }
0x169: {  	[sflag:s0] =	ssyncadd.tile.s32 @!p0 $0x1;
	_ =	shalt  }
.Lfunc_end2:
_tile_overlayer_lowered:
.L_overlay_start_2:
0x16a: {  	(tag) =	ssettag $0x2  }
0x16b: {  	s0 =	rddreg [dreg:$0x0];
	s2 =	stileid.u32  }
0x16c: {  	s1 =	rddreg [dreg:$0x1];
	p0 =	sne.s32 s2, $0x0  }
0x16d: {  	s3 =	rddreg [dreg:$0x2];
	[bflag:$0x3] =	sbarrier.arrive $0xFFFF;
	s2 =	simm.s32 @!p0 $0x1C02  }
0x16e: {  	[timem:s3], [sflag:s2] =	dma.local @!p0 [hbm:s0], s1  }
0x16f: {  	s0 =	simm.s32 @!p0 $0x2  }
0x170: {  	_ =	swait.ge @!p0 [sflag:s0], s1  }
0x171: {  	s1 =	ssub.s32 @!p0 $0x0, s1;
	[sflag:s0] =	ssyncset.done @!p0 $0x0  }
0x172: {  	[sflag:s0] =	ssyncadd.s32 @!p0 s1  }
0x173: {  	[bflag:$0x3] =	sbarrier.arrive $0xFFFF  }
0x174: {  	_ =	shalt  }

</sc_bundles>
